<compile_context>
chip_gen: v7x
topology: tpu7x:2x2x1
jax: 0.10.2.dev20260603
libtpu: 0.0.44.dev20260713+nightly
codegen_flags: <defaults>
</compile_context>

<pallas_src>
import functools

import jax
import jax.numpy as jnp
from jax import lax
from jax.experimental import pallas as pl
from jax.experimental.pallas import tpu as pltpu
from jax.experimental.pallas import tpu_sc as plsc

_NC, _NS, _LANES = 2, 16, 16
_NW = _NC * _NS

_L_SC = 20480
_TL = 2048


def _make_sc_call(B, A, N, LSC):
    G = B * A
    CL = LSC // _NW
    assert LSC % _NW == 0 and CL % 128 == 0

    mesh = plsc.VectorSubcoreMesh(
        core_axis_name="c", subcore_axis_name="s",
        num_cores=_NC, num_subcores=_NS)

    @functools.partial(
        pl.kernel,
        out_type=(
            jax.ShapeDtypeStruct((B, A, LSC), jnp.float32),
            jax.ShapeDtypeStruct((B, A, LSC), jnp.int32),
        ),
        mesh=mesh,
        scratch_types=[
            pltpu.VMEM((B, CL), jnp.float32),
            pltpu.VMEM((2, N, CL), jnp.float32),
            pltpu.VMEM((B, A, CL), jnp.float32),
            pltpu.VMEM((B, A, CL), jnp.int32),
            pltpu.SemaphoreType.DMA,
            pltpu.SemaphoreType.DMA,
        ],
    )
    def sc_call(mixed_hbm, ref_hbm, omax_hbm, oidx_hbm, m_v, r_v, omax_v,
                oidx_v, sr0, sr1):
        srs = (sr0, sr1)
        wid = lax.axis_index("s") * _NC + lax.axis_index("c")
        col0 = wid * CL
        pltpu.sync_copy(mixed_hbm.at[:, pl.ds(col0, CL)], m_v)

        def ref_copy(g, k):
            return pltpu.make_async_copy(
                ref_hbm.at[pl.ds(g * N, N), pl.ds(col0, CL)],
                r_v.at[k], srs[k])

        ref_copy(0, 0).start()

        @pl.loop(0, G // 2)
        def _(t):
            for k in range(2):
                g = 2 * t + k
                gn = jnp.minimum(g + 1, G - 1)
                ref_copy(gn, 1 - k).start()
                ref_copy(g, k).wait()
                b = g // A
                a = g - b * A

                @pl.loop(0, CL // _LANES, unroll=1)
                def _(j):
                    sl = pl.ds(j * _LANES, _LANES)
                    mv = m_v[b, sl]
                    best = mv * r_v[k, 0, sl]
                    besti = jnp.zeros((_LANES,), jnp.int32)
                    for n in range(1, N):
                        p = mv * r_v[k, n, sl]
                        gt = p > best
                        besti = jnp.where(gt, jnp.int32(n), besti)
                        best = jnp.maximum(best, p)
                    omax_v[b, a, sl] = best
                    oidx_v[b, a, sl] = besti

        ref_copy(G - 1, 0).wait()
        h1 = pltpu.async_copy(omax_v, omax_hbm.at[:, :, pl.ds(col0, CL)], sr0)
        h2 = pltpu.async_copy(oidx_v, oidx_hbm.at[:, :, pl.ds(col0, CL)], sr1)
        h1.wait()
        h2.wait()

    return sc_call


def _tc_body(m_ref, r_ref, omax_ref, oidx_ref, *, N, A, B):
    b = pl.program_id(0)
    m4 = m_ref[...]
    mrow = m4[0:1]
    for bb in range(1, B):
        mrow = jnp.where(b == bb, m4[bb:bb + 1], mrow)
    for a in range(A):
        r = r_ref[0, a]
        p = mrow * r
        mx = jnp.max(p, axis=0, keepdims=True)
        row = lax.broadcasted_iota(jnp.int32, p.shape, 0)
        idx = jnp.min(jnp.where(p == mx, row, N), axis=0, keepdims=True)
        omax_ref[0, a:a + 1] = mx
        oidx_ref[0, a:a + 1] = idx


def _make_tc_call(B, A, N, L, LSC, G):
    LTC = L - LSC
    assert LTC % _TL == 0
    off = LSC // _TL
    grid = (B, LTC // _TL)

    return pl.pallas_call(
        functools.partial(_tc_body, N=N, A=A, B=B),
        grid=grid,
        in_specs=[
            pl.BlockSpec((B, _TL), lambda b, c: (0, c + off)),
            pl.BlockSpec((1, A, N, _TL), lambda b, c: (b, 0, 0, c + off)),
        ],
        out_specs=[
            pl.BlockSpec((1, A, _TL), lambda b, c: (b, 0, c + off)),
            pl.BlockSpec((1, A, _TL), lambda b, c: (b, 0, c + off)),
        ],
        out_shape=(
            jax.ShapeDtypeStruct((B, A, L), jnp.float32),
            jax.ShapeDtypeStruct((B, A, L), jnp.int32),
        ),
    )


def kernel(input_mixed, ref_panel):
    B, A, N, L = ref_panel.shape
    G = B * A
    sc_call = _make_sc_call(B, A, N, _L_SC)
    tc_call = _make_tc_call(B, A, N, L, _L_SC, G)
    ref2d = ref_panel.reshape(G * N, L)
    sc_max, sc_idx = sc_call(input_mixed, ref2d)
    tc_max, tc_idx = tc_call(input_mixed, ref_panel)
    omax = lax.dynamic_update_slice(tc_max, sc_max, (0, 0, 0))
    oidx = lax.dynamic_update_slice(tc_idx, sc_idx, (0, 0, 0))
    return omax, oidx

# --- scband reference (transcript-rebuilt; emitter-appended) ---
"""Pipeline reference for scband-agnostic-model-36275293782830 (READ-ONLY COPY).

The authoritative reference and input builder live on the scoring server;
editing this copy changes nothing except your own understanding.
"""

import jax, jax.numpy as jnp
import numpy as np

B, A, N, L = 4, 3, 32, 32768

def setup_inputs(seed: int = 0) -> dict:
    key = jax.random.key(seed)
    k1, k2 = jax.random.split(key)
    input_mixed = jax.random.normal(k1, (B, L), dtype=jnp.float32)
    ref_panel = jax.random.normal(k2, (B, A, N, L), dtype=jnp.float32)
    return {"input_mixed": input_mixed, "ref_panel": ref_panel}

def reference(input_mixed, ref_panel):
    # XOR step: multiply mixed haplotype against every reference haplotype
    # per ancestry group (multiply_ref_panel with mixed.unsqueeze(0)).
    multi = input_mixed[:, None, None, :] * ref_panel  # [B, A, N, L]
    # RefMaxPool: max over the reference-haplotype dim, plus argmax indices
    maximums = jnp.max(multi, axis=2)                  # [B, A, L]
    indices = jnp.argmax(multi, axis=2)                # [B, A, L]
    # stack_ancestries over the 3 ancestry channels followed by torch.cat
    # over the batch yields exactly [B, 3, L]; max_indices_batch is [B, 3, L].
    return maximums, indices

if __name__ == "__main__":
    import jax
    _d = setup_inputs()
    print(jax.jit(kernel)(*tuple(_d.values())))

</pallas_src>

<mosaic_0001>
#map = affine_map<(d0, d1) -> (0, 0)>
#map1 = affine_map<(d0, d1) -> (0, 0, 0)>
module attributes {stable_mosaic.version = 14 : i64} {
  func.func @sc_call(%arg0: i32, %arg1: i32, %arg2: memref<4x32768xf32, #tpu.memory_space<hbm>>, %arg3: memref<384x32768xf32, #tpu.memory_space<hbm>>, %arg4: memref<4x3x20480xf32, #tpu.memory_space<hbm>>, %arg5: memref<4x3x20480xi32, #tpu.memory_space<hbm>>, %arg6: memref<4x640xf32, #tpu.memory_space<vmem>>, %arg7: memref<2x32x640xf32, #tpu.memory_space<vmem>>, %arg8: memref<4x3x640xf32, #tpu.memory_space<vmem>>, %arg9: memref<4x3x640xi32, #tpu.memory_space<vmem>>, %arg10: memref<!tpu.dma_semaphore, #tpu.memory_space<semaphore_mem>>, %arg11: memref<!tpu.dma_semaphore, #tpu.memory_space<semaphore_mem>>) attributes {dimension_semantics = [#tpu.dimension_semantics<core_parallel>, #tpu.dimension_semantics<subcore_parallel>], iteration_bounds = array<i64: 2, 16>, scalar_prefetch = 0 : i64, scratch_operands = 6 : i64, tpu.core_type = #tpu.core_type<sc_vector_subcore>, window_params = [{transform_indices = #map}, {transform_indices = #map}, {transform_indices = #map1}, {transform_indices = #map1}]} {
    %mul3A = arith.constant 2 : i32
    %mul3A_0 = arith.muli %arg1, %mul3A : i32
    %add3A = arith.addi %mul3A_0, %arg0 : i32
    %mul3A_1 = arith.constant 640 : i32
    %mul3A_2 = arith.muli %add3A, %mul3A_1 : i32
    "tpu.region"() ({
      %run_scoped3A = tpu.sem_alloc : memref<!tpu.dma_semaphore, #tpu.memory_space<semaphore_mem>>
      %dma_start3A_55 = arith.constant 0 : i32
      %dma_start3A_56 = tpu.memref_slice %arg2[%dma_start3A_55, %mul3A_2] : memref<4x32768xf32, #tpu.memory_space<hbm>> -> memref<4x640xf32, #tpu.memory_space<hbm>>
      %dma_start3A_57 = arith.constant 0 : i32
      %dma_start3A_58 = tpu.memref_slice %arg2[%dma_start3A_57, %mul3A_2] : memref<4x32768xf32, #tpu.memory_space<hbm>> -> memref<4x640xf32, #tpu.memory_space<hbm>>
      tpu.enqueue_dma source(%dma_start3A_58 : memref<4x640xf32, #tpu.memory_space<hbm>>) target(%arg6 : memref<4x640xf32, #tpu.memory_space<vmem>>) target_semaphore(%run_scoped3A : memref<!tpu.dma_semaphore, #tpu.memory_space<semaphore_mem>>)
      %dma_wait3A_59 = arith.constant 0 : i32
      %dma_wait3A_60 = tpu.memref_slice %arg2[%dma_wait3A_59, %mul3A_2] : memref<4x32768xf32, #tpu.memory_space<hbm>> -> memref<4x640xf32, #tpu.memory_space<hbm>>
      %dma_wait3A_61 = arith.constant 0 : i32
      %dma_wait3A_62 = tpu.memref_slice %arg2[%dma_wait3A_61, %mul3A_2] : memref<4x32768xf32, #tpu.memory_space<hbm>> -> memref<4x640xf32, #tpu.memory_space<hbm>>
      tpu.wait_dma2 semaphore(%run_scoped3A : memref<!tpu.dma_semaphore, #tpu.memory_space<semaphore_mem>>) src(%dma_wait3A_62 : memref<4x640xf32, #tpu.memory_space<hbm>>) dst(%arg6 : memref<4x640xf32, #tpu.memory_space<vmem>>)
      tpu.yield
    }) : () -> ()
    %dma_start3A = arith.constant 0 : i32
    %dma_start3A_3 = arith.constant 0 : i32
    %dma_start3A_4 = arith.constant 0 : i32
    %dma_start3A_5 = tpu.memref_slice %arg7[%dma_start3A, %dma_start3A_3, %dma_start3A_4] : memref<2x32x640xf32, #tpu.memory_space<vmem>> -> memref<1x32x640xf32, #tpu.memory_space<vmem>>
    %dma_start3A_6 = tpu.memref_squeeze %dma_start3A_5 : memref<1x32x640xf32, #tpu.memory_space<vmem>> -> memref<32x640xf32, #tpu.memory_space<vmem>>
    %dma_start3A_7 = arith.constant 0 : i32
    %dma_start3A_8 = tpu.memref_slice %arg3[%dma_start3A_7, %mul3A_2] : memref<384x32768xf32, #tpu.memory_space<hbm>> -> memref<32x640xf32, #tpu.memory_space<hbm>>
    %dma_start3A_9 = arith.constant 0 : i32
    %dma_start3A_10 = arith.constant 0 : i32
    %dma_start3A_11 = tpu.memref_slice %arg7[%dma_start3A, %dma_start3A_9, %dma_start3A_10] : memref<2x32x640xf32, #tpu.memory_space<vmem>> -> memref<1x32x640xf32, #tpu.memory_space<vmem>>
    %dma_start3A_12 = tpu.memref_squeeze %dma_start3A_11 : memref<1x32x640xf32, #tpu.memory_space<vmem>> -> memref<32x640xf32, #tpu.memory_space<vmem>>
    %dma_start3A_13 = arith.constant 0 : i32
    %dma_start3A_14 = tpu.memref_slice %arg3[%dma_start3A_13, %mul3A_2] : memref<384x32768xf32, #tpu.memory_space<hbm>> -> memref<32x640xf32, #tpu.memory_space<hbm>>
    tpu.enqueue_dma source(%dma_start3A_14 : memref<32x640xf32, #tpu.memory_space<hbm>>) target(%dma_start3A_12 : memref<32x640xf32, #tpu.memory_space<vmem>>) target_semaphore(%arg10 : memref<!tpu.dma_semaphore, #tpu.memory_space<semaphore_mem>>)
    %scan3A = arith.constant 0 : i32
    %scan3A_15 = arith.constant 6 : i32
    %scan3A_16 = arith.addi %scan3A, %scan3A_15 : i32
    %scan3A_17 = arith.constant 1 : i32
    scf.for %scan3A_55 = %scan3A to %scan3A_16 step %scan3A_17  : i32 {
      %mul3A_56 = arith.constant 1 : i32
      %mul3A_57 = arith.muli %scan3A_55, %mul3A_56 : i32
      %add3A_58 = arith.constant 0 : i32
      %add3A_59 = arith.addi %add3A_58, %mul3A_57 : i32
      %mul3A_60 = arith.constant 2 : i32
      %mul3A_61 = arith.muli %mul3A_60, %add3A_59 : i32
      %add3A_62 = arith.constant 0 : i32
      %add3A_63 = arith.addi %mul3A_61, %add3A_62 : i32
      %add3A_64 = arith.constant 1 : i32
      %add3A_65 = arith.addi %add3A_63, %add3A_64 : i32
      %min3A = arith.constant 11 : i32
      %min3A_66 = arith.minsi %add3A_65, %min3A : i32
      %mul3A_67 = arith.constant 32 : i32
      %mul3A_68 = arith.muli %min3A_66, %mul3A_67 : i32
      %dma_start3A_69 = arith.constant 1 : i32
      %dma_start3A_70 = arith.constant 0 : i32
      %dma_start3A_71 = arith.constant 0 : i32
      %dma_start3A_72 = tpu.memref_slice %arg7[%dma_start3A_69, %dma_start3A_70, %dma_start3A_71] : memref<2x32x640xf32, #tpu.memory_space<vmem>> -> memref<1x32x640xf32, #tpu.memory_space<vmem>>
      %dma_start3A_73 = tpu.memref_squeeze %dma_start3A_72 : memref<1x32x640xf32, #tpu.memory_space<vmem>> -> memref<32x640xf32, #tpu.memory_space<vmem>>
      %dma_start3A_74 = tpu.memref_slice %arg3[%mul3A_68, %mul3A_2] : memref<384x32768xf32, #tpu.memory_space<hbm>> -> memref<32x640xf32, #tpu.memory_space<hbm>>
      %dma_start3A_75 = arith.constant 0 : i32
      %dma_start3A_76 = arith.constant 0 : i32
      %dma_start3A_77 = tpu.memref_slice %arg7[%dma_start3A_69, %dma_start3A_75, %dma_start3A_76] : memref<2x32x640xf32, #tpu.memory_space<vmem>> -> memref<1x32x640xf32, #tpu.memory_space<vmem>>
      %dma_start3A_78 = tpu.memref_squeeze %dma_start3A_77 : memref<1x32x640xf32, #tpu.memory_space<vmem>> -> memref<32x640xf32, #tpu.memory_space<vmem>>
      %dma_start3A_79 = tpu.memref_slice %arg3[%mul3A_68, %mul3A_2] : memref<384x32768xf32, #tpu.memory_space<hbm>> -> memref<32x640xf32, #tpu.memory_space<hbm>>
      tpu.enqueue_dma source(%dma_start3A_79 : memref<32x640xf32, #tpu.memory_space<hbm>>) target(%dma_start3A_78 : memref<32x640xf32, #tpu.memory_space<vmem>>) target_semaphore(%arg11 : memref<!tpu.dma_semaphore, #tpu.memory_space<semaphore_mem>>)
      %mul3A_80 = arith.constant 32 : i32
      %mul3A_81 = arith.muli %add3A_63, %mul3A_80 : i32
      %dma_wait3A_82 = arith.constant 0 : i32
      %dma_wait3A_83 = arith.constant 0 : i32
      %dma_wait3A_84 = arith.constant 0 : i32
      %dma_wait3A_85 = tpu.memref_slice %arg7[%dma_wait3A_82, %dma_wait3A_83, %dma_wait3A_84] : memref<2x32x640xf32, #tpu.memory_space<vmem>> -> memref<1x32x640xf32, #tpu.memory_space<vmem>>
      %dma_wait3A_86 = tpu.memref_squeeze %dma_wait3A_85 : memref<1x32x640xf32, #tpu.memory_space<vmem>> -> memref<32x640xf32, #tpu.memory_space<vmem>>
      %dma_wait3A_87 = tpu.memref_slice %arg3[%mul3A_81, %mul3A_2] : memref<384x32768xf32, #tpu.memory_space<hbm>> -> memref<32x640xf32, #tpu.memory_space<hbm>>
      %dma_wait3A_88 = arith.constant 0 : i32
      %dma_wait3A_89 = arith.constant 0 : i32
      %dma_wait3A_90 = tpu.memref_slice %arg7[%dma_wait3A_82, %dma_wait3A_88, %dma_wait3A_89] : memref<2x32x640xf32, #tpu.memory_space<vmem>> -> memref<1x32x640xf32, #tpu.memory_space<vmem>>
      %dma_wait3A_91 = tpu.memref_squeeze %dma_wait3A_90 : memref<1x32x640xf32, #tpu.memory_space<vmem>> -> memref<32x640xf32, #tpu.memory_space<vmem>>
      %dma_wait3A_92 = tpu.memref_slice %arg3[%mul3A_81, %mul3A_2] : memref<384x32768xf32, #tpu.memory_space<hbm>> -> memref<32x640xf32, #tpu.memory_space<hbm>>
      tpu.wait_dma2 semaphore(%arg10 : memref<!tpu.dma_semaphore, #tpu.memory_space<semaphore_mem>>) src(%dma_wait3A_92 : memref<32x640xf32, #tpu.memory_space<hbm>>) dst(%dma_wait3A_91 : memref<32x640xf32, #tpu.memory_space<vmem>>)
      %jit3A = arith.constant 3 : i32
      %div3A = arith.divsi %add3A_63, %jit3A : i32
      %sign3A = arith.constant 0 : i32
      %sign3A_93 = arith.cmpi sgt, %add3A_63, %sign3A : i32
      %sign3A_94 = arith.extui %sign3A_93 : i1 to i32
      %sign3A_95 = arith.constant 0 : i32
      %sign3A_96 = arith.cmpi slt, %add3A_63, %sign3A_95 : i32
      %sign3A_97 = arith.extui %sign3A_96 : i1 to i32
      %sign3A_98 = arith.subi %sign3A_94, %sign3A_97 : i32
      %sign3A_99 = arith.constant 0 : i32
      %sign3A_100 = arith.cmpi sgt, %jit3A, %sign3A_99 : i32
      %sign3A_101 = arith.extui %sign3A_100 : i1 to i32
      %sign3A_102 = arith.constant 0 : i32
      %sign3A_103 = arith.cmpi slt, %jit3A, %sign3A_102 : i32
      %sign3A_104 = arith.extui %sign3A_103 : i1 to i32
      %sign3A_105 = arith.subi %sign3A_101, %sign3A_104 : i32
      %ne3A = arith.cmpi ne, %sign3A_98, %sign3A_105 : i32
      %rem3A = arith.remsi %add3A_63, %jit3A : i32
      %ne3A_106 = arith.constant 0 : i32
      %ne3A_107 = arith.cmpi ne, %rem3A, %ne3A_106 : i32
      %and3A = arith.andi %ne3A, %ne3A_107 : i1
      %sub3A = arith.constant 1 : i32
      %sub3A_108 = arith.subi %div3A, %sub3A : i32
      %select_n3A = arith.select %and3A, %sub3A_108, %div3A : i32
      %mul3A_109 = arith.constant 3 : i32
      %mul3A_110 = arith.muli %select_n3A, %mul3A_109 : i32
      %sub3A_111 = arith.subi %add3A_63, %mul3A_110 : i32
      %scan3A_112 = arith.constant 0 : i32
      %scan3A_113 = arith.constant 40 : i32
      %scan3A_114 = arith.addi %scan3A_112, %scan3A_113 : i32
      %scan3A_115 = arith.constant 1 : i32
      scf.for %scan3A_183 = %scan3A_112 to %scan3A_114 step %scan3A_115  : i32 {
        %mul3A_184 = arith.constant 1 : i32
        %mul3A_185 = arith.muli %scan3A_183, %mul3A_184 : i32
        %add3A_186 = arith.constant 0 : i32
        %add3A_187 = arith.addi %add3A_186, %mul3A_185 : i32
        %mul3A_188 = arith.constant 16 : i32
        %mul3A_189 = arith.muli %add3A_187, %mul3A_188 : i32
        %get3A = arith.index_cast %select_n3A : i32 to index
        %get3A_190 = arith.index_cast %mul3A_189 : i32 to index
        %get3A_191 = tpu.vector_load %arg6[%get3A, %get3A_190] {strides = array<i32>} : memref<4x640xf32, #tpu.memory_space<vmem>>, vector<1x16xf32>,
        %get3A_192 = vector.shape_cast %get3A_191 : vector<1x16xf32> to vector<16xf32>
        %get3A_193 = arith.constant 0 : i32
        %get3A_194 = arith.constant 0 : i32
        %get3A_195 = arith.index_cast %get3A_193 : i32 to index
        %get3A_196 = arith.index_cast %get3A_194 : i32 to index
        %get3A_197 = arith.index_cast %mul3A_189 : i32 to index
        %get3A_198 = tpu.vector_load %arg7[%get3A_195, %get3A_196, %get3A_197] {strides = array<i32>} : memref<2x32x640xf32, #tpu.memory_space<vmem>>, vector<1x1x16xf32>,
        %get3A_199 = vector.shape_cast %get3A_198 : vector<1x1x16xf32> to vector<16xf32>
        %mul3A_200 = arith.mulf %get3A_192, %get3A_199 : vector<16xf32>
        %broadcast_in_dim3A = arith.constant 0 : i32
        %broadcast_in_dim3A_201 = vector.broadcast %broadcast_in_dim3A : i32 to vector<16xi32>
        %get3A_202 = arith.constant 0 : i32
        %get3A_203 = arith.constant 1 : i32
        %get3A_204 = arith.index_cast %get3A_202 : i32 to index
        %get3A_205 = arith.index_cast %get3A_203 : i32 to index
        %get3A_206 = arith.index_cast %mul3A_189 : i32 to index
        %get3A_207 = tpu.vector_load %arg7[%get3A_204, %get3A_205, %get3A_206] {strides = array<i32>} : memref<2x32x640xf32, #tpu.memory_space<vmem>>, vector<1x1x16xf32>,
        %get3A_208 = vector.shape_cast %get3A_207 : vector<1x1x16xf32> to vector<16xf32>
        %mul3A_209 = arith.mulf %get3A_192, %get3A_208 : vector<16xf32>
        %gt3A = arith.cmpf ogt, %mul3A_209, %mul3A_200 : vector<16xf32>
        %jit3A_210 = arith.constant 1 : i32
        %broadcast_in_dim3A_211 = vector.broadcast %jit3A_210 : i32 to vector<16xi32>
        %select_n3A_212 = arith.select %gt3A, %broadcast_in_dim3A_211, %broadcast_in_dim3A_201 : vector<16xi1>, vector<16xi32>
        %max3A = arith.maximumf %mul3A_200, %mul3A_209 : vector<16xf32>
        %get3A_213 = arith.constant 0 : i32
        %get3A_214 = arith.constant 2 : i32
        %get3A_215 = arith.index_cast %get3A_213 : i32 to index
        %get3A_216 = arith.index_cast %get3A_214 : i32 to index
        %get3A_217 = arith.index_cast %mul3A_189 : i32 to index
        %get3A_218 = tpu.vector_load %arg7[%get3A_215, %get3A_216, %get3A_217] {strides = array<i32>} : memref<2x32x640xf32, #tpu.memory_space<vmem>>, vector<1x1x16xf32>,
        %get3A_219 = vector.shape_cast %get3A_218 : vector<1x1x16xf32> to vector<16xf32>
        %mul3A_220 = arith.mulf %get3A_192, %get3A_219 : vector<16xf32>
        %gt3A_221 = arith.cmpf ogt, %mul3A_220, %max3A : vector<16xf32>
        %jit3A_222 = arith.constant 2 : i32
        %broadcast_in_dim3A_223 = vector.broadcast %jit3A_222 : i32 to vector<16xi32>
        %select_n3A_224 = arith.select %gt3A_221, %broadcast_in_dim3A_223, %select_n3A_212 : vector<16xi1>, vector<16xi32>
        %max3A_225 = arith.maximumf %max3A, %mul3A_220 : vector<16xf32>
        %get3A_226 = arith.constant 0 : i32
        %get3A_227 = arith.constant 3 : i32
        %get3A_228 = arith.index_cast %get3A_226 : i32 to index
        %get3A_229 = arith.index_cast %get3A_227 : i32 to index
        %get3A_230 = arith.index_cast %mul3A_189 : i32 to index
        %get3A_231 = tpu.vector_load %arg7[%get3A_228, %get3A_229, %get3A_230] {strides = array<i32>} : memref<2x32x640xf32, #tpu.memory_space<vmem>>, vector<1x1x16xf32>,
        %get3A_232 = vector.shape_cast %get3A_231 : vector<1x1x16xf32> to vector<16xf32>
        %mul3A_233 = arith.mulf %get3A_192, %get3A_232 : vector<16xf32>
        %gt3A_234 = arith.cmpf ogt, %mul3A_233, %max3A_225 : vector<16xf32>
        %jit3A_235 = arith.constant 3 : i32
        %broadcast_in_dim3A_236 = vector.broadcast %jit3A_235 : i32 to vector<16xi32>
        %select_n3A_237 = arith.select %gt3A_234, %broadcast_in_dim3A_236, %select_n3A_224 : vector<16xi1>, vector<16xi32>
        %max3A_238 = arith.maximumf %max3A_225, %mul3A_233 : vector<16xf32>
        %get3A_239 = arith.constant 0 : i32
        %get3A_240 = arith.constant 4 : i32
        %get3A_241 = arith.index_cast %get3A_239 : i32 to index
        %get3A_242 = arith.index_cast %get3A_240 : i32 to index
        %get3A_243 = arith.index_cast %mul3A_189 : i32 to index
        %get3A_244 = tpu.vector_load %arg7[%get3A_241, %get3A_242, %get3A_243] {strides = array<i32>} : memref<2x32x640xf32, #tpu.memory_space<vmem>>, vector<1x1x16xf32>,
        %get3A_245 = vector.shape_cast %get3A_244 : vector<1x1x16xf32> to vector<16xf32>
        %mul3A_246 = arith.mulf %get3A_192, %get3A_245 : vector<16xf32>
        %gt3A_247 = arith.cmpf ogt, %mul3A_246, %max3A_238 : vector<16xf32>
        %jit3A_248 = arith.constant 4 : i32
        %broadcast_in_dim3A_249 = vector.broadcast %jit3A_248 : i32 to vector<16xi32>
        %select_n3A_250 = arith.select %gt3A_247, %broadcast_in_dim3A_249, %select_n3A_237 : vector<16xi1>, vector<16xi32>
        %max3A_251 = arith.maximumf %max3A_238, %mul3A_246 : vector<16xf32>
        %get3A_252 = arith.constant 0 : i32
        %get3A_253 = arith.constant 5 : i32
        %get3A_254 = arith.index_cast %get3A_252 : i32 to index
        %get3A_255 = arith.index_cast %get3A_253 : i32 to index
        %get3A_256 = arith.index_cast %mul3A_189 : i32 to index
        %get3A_257 = tpu.vector_load %arg7[%get3A_254, %get3A_255, %get3A_256] {strides = array<i32>} : memref<2x32x640xf32, #tpu.memory_space<vmem>>, vector<1x1x16xf32>,
        %get3A_258 = vector.shape_cast %get3A_257 : vector<1x1x16xf32> to vector<16xf32>
        %mul3A_259 = arith.mulf %get3A_192, %get3A_258 : vector<16xf32>
        %gt3A_260 = arith.cmpf ogt, %mul3A_259, %max3A_251 : vector<16xf32>
        %jit3A_261 = arith.constant 5 : i32
        %broadcast_in_dim3A_262 = vector.broadcast %jit3A_261 : i32 to vector<16xi32>
        %select_n3A_263 = arith.select %gt3A_260, %broadcast_in_dim3A_262, %select_n3A_250 : vector<16xi1>, vector<16xi32>
        %max3A_264 = arith.maximumf %max3A_251, %mul3A_259 : vector<16xf32>
        %get3A_265 = arith.constant 0 : i32
        %get3A_266 = arith.constant 6 : i32
        %get3A_267 = arith.index_cast %get3A_265 : i32 to index
        %get3A_268 = arith.index_cast %get3A_266 : i32 to index
        %get3A_269 = arith.index_cast %mul3A_189 : i32 to index
        %get3A_270 = tpu.vector_load %arg7[%get3A_267, %get3A_268, %get3A_269] {strides = array<i32>} : memref<2x32x640xf32, #tpu.memory_space<vmem>>, vector<1x1x16xf32>,
        %get3A_271 = vector.shape_cast %get3A_270 : vector<1x1x16xf32> to vector<16xf32>
        %mul3A_272 = arith.mulf %get3A_192, %get3A_271 : vector<16xf32>
        %gt3A_273 = arith.cmpf ogt, %mul3A_272, %max3A_264 : vector<16xf32>
        %jit3A_274 = arith.constant 6 : i32
        %broadcast_in_dim3A_275 = vector.broadcast %jit3A_274 : i32 to vector<16xi32>
        %select_n3A_276 = arith.select %gt3A_273, %broadcast_in_dim3A_275, %select_n3A_263 : vector<16xi1>, vector<16xi32>
        %max3A_277 = arith.maximumf %max3A_264, %mul3A_272 : vector<16xf32>
        %get3A_278 = arith.constant 0 : i32
        %get3A_279 = arith.constant 7 : i32
        %get3A_280 = arith.index_cast %get3A_278 : i32 to index
        %get3A_281 = arith.index_cast %get3A_279 : i32 to index
        %get3A_282 = arith.index_cast %mul3A_189 : i32 to index
        %get3A_283 = tpu.vector_load %arg7[%get3A_280, %get3A_281, %get3A_282] {strides = array<i32>} : memref<2x32x640xf32, #tpu.memory_space<vmem>>, vector<1x1x16xf32>,
        %get3A_284 = vector.shape_cast %get3A_283 : vector<1x1x16xf32> to vector<16xf32>
        %mul3A_285 = arith.mulf %get3A_192, %get3A_284 : vector<16xf32>
        %gt3A_286 = arith.cmpf ogt, %mul3A_285, %max3A_277 : vector<16xf32>
        %jit3A_287 = arith.constant 7 : i32
        %broadcast_in_dim3A_288 = vector.broadcast %jit3A_287 : i32 to vector<16xi32>
        %select_n3A_289 = arith.select %gt3A_286, %broadcast_in_dim3A_288, %select_n3A_276 : vector<16xi1>, vector<16xi32>
        %max3A_290 = arith.maximumf %max3A_277, %mul3A_285 : vector<16xf32>
        %get3A_291 = arith.constant 0 : i32
        %get3A_292 = arith.constant 8 : i32
        %get3A_293 = arith.index_cast %get3A_291 : i32 to index
        %get3A_294 = arith.index_cast %get3A_292 : i32 to index
        %get3A_295 = arith.index_cast %mul3A_189 : i32 to index
        %get3A_296 = tpu.vector_load %arg7[%get3A_293, %get3A_294, %get3A_295] {strides = array<i32>} : memref<2x32x640xf32, #tpu.memory_space<vmem>>, vector<1x1x16xf32>,
        %get3A_297 = vector.shape_cast %get3A_296 : vector<1x1x16xf32> to vector<16xf32>
        %mul3A_298 = arith.mulf %get3A_192, %get3A_297 : vector<16xf32>
        %gt3A_299 = arith.cmpf ogt, %mul3A_298, %max3A_290 : vector<16xf32>
        %jit3A_300 = arith.constant 8 : i32
        %broadcast_in_dim3A_301 = vector.broadcast %jit3A_300 : i32 to vector<16xi32>
        %select_n3A_302 = arith.select %gt3A_299, %broadcast_in_dim3A_301, %select_n3A_289 : vector<16xi1>, vector<16xi32>
        %max3A_303 = arith.maximumf %max3A_290, %mul3A_298 : vector<16xf32>
        %get3A_304 = arith.constant 0 : i32
        %get3A_305 = arith.constant 9 : i32
        %get3A_306 = arith.index_cast %get3A_304 : i32 to index
        %get3A_307 = arith.index_cast %get3A_305 : i32 to index
        %get3A_308 = arith.index_cast %mul3A_189 : i32 to index
        %get3A_309 = tpu.vector_load %arg7[%get3A_306, %get3A_307, %get3A_308] {strides = array<i32>} : memref<2x32x640xf32, #tpu.memory_space<vmem>>, vector<1x1x16xf32>,
        %get3A_310 = vector.shape_cast %get3A_309 : vector<1x1x16xf32> to vector<16xf32>
        %mul3A_311 = arith.mulf %get3A_192, %get3A_310 : vector<16xf32>
        %gt3A_312 = arith.cmpf ogt, %mul3A_311, %max3A_303 : vector<16xf32>
        %jit3A_313 = arith.constant 9 : i32
        %broadcast_in_dim3A_314 = vector.broadcast %jit3A_313 : i32 to vector<16xi32>
        %select_n3A_315 = arith.select %gt3A_312, %broadcast_in_dim3A_314, %select_n3A_302 : vector<16xi1>, vector<16xi32>
        %max3A_316 = arith.maximumf %max3A_303, %mul3A_311 : vector<16xf32>
        %get3A_317 = arith.constant 0 : i32
        %get3A_318 = arith.constant 10 : i32
        %get3A_319 = arith.index_cast %get3A_317 : i32 to index
        %get3A_320 = arith.index_cast %get3A_318 : i32 to index
        %get3A_321 = arith.index_cast %mul3A_189 : i32 to index
        %get3A_322 = tpu.vector_load %arg7[%get3A_319, %get3A_320, %get3A_321] {strides = array<i32>} : memref<2x32x640xf32, #tpu.memory_space<vmem>>, vector<1x1x16xf32>,
        %get3A_323 = vector.shape_cast %get3A_322 : vector<1x1x16xf32> to vector<16xf32>
        %mul3A_324 = arith.mulf %get3A_192, %get3A_323 : vector<16xf32>
        %gt3A_325 = arith.cmpf ogt, %mul3A_324, %max3A_316 : vector<16xf32>
        %jit3A_326 = arith.constant 10 : i32
        %broadcast_in_dim3A_327 = vector.broadcast %jit3A_326 : i32 to vector<16xi32>
        %select_n3A_328 = arith.select %gt3A_325, %broadcast_in_dim3A_327, %select_n3A_315 : vector<16xi1>, vector<16xi32>
        %max3A_329 = arith.maximumf %max3A_316, %mul3A_324 : vector<16xf32>
        %get3A_330 = arith.constant 0 : i32
        %get3A_331 = arith.constant 11 : i32
        %get3A_332 = arith.index_cast %get3A_330 : i32 to index
        %get3A_333 = arith.index_cast %get3A_331 : i32 to index
        %get3A_334 = arith.index_cast %mul3A_189 : i32 to index
        %get3A_335 = tpu.vector_load %arg7[%get3A_332, %get3A_333, %get3A_334] {strides = array<i32>} : memref<2x32x640xf32, #tpu.memory_space<vmem>>, vector<1x1x16xf32>,
        %get3A_336 = vector.shape_cast %get3A_335 : vector<1x1x16xf32> to vector<16xf32>
        %mul3A_337 = arith.mulf %get3A_192, %get3A_336 : vector<16xf32>
        %gt3A_338 = arith.cmpf ogt, %mul3A_337, %max3A_329 : vector<16xf32>
        %jit3A_339 = arith.constant 11 : i32
        %broadcast_in_dim3A_340 = vector.broadcast %jit3A_339 : i32 to vector<16xi32>
        %select_n3A_341 = arith.select %gt3A_338, %broadcast_in_dim3A_340, %select_n3A_328 : vector<16xi1>, vector<16xi32>
        %max3A_342 = arith.maximumf %max3A_329, %mul3A_337 : vector<16xf32>
        %get3A_343 = arith.constant 0 : i32
        %get3A_344 = arith.constant 12 : i32
        %get3A_345 = arith.index_cast %get3A_343 : i32 to index
        %get3A_346 = arith.index_cast %get3A_344 : i32 to index
        %get3A_347 = arith.index_cast %mul3A_189 : i32 to index
        %get3A_348 = tpu.vector_load %arg7[%get3A_345, %get3A_346, %get3A_347] {strides = array<i32>} : memref<2x32x640xf32, #tpu.memory_space<vmem>>, vector<1x1x16xf32>,
        %get3A_349 = vector.shape_cast %get3A_348 : vector<1x1x16xf32> to vector<16xf32>
        %mul3A_350 = arith.mulf %get3A_192, %get3A_349 : vector<16xf32>
        %gt3A_351 = arith.cmpf ogt, %mul3A_350, %max3A_342 : vector<16xf32>
        %jit3A_352 = arith.constant 12 : i32
        %broadcast_in_dim3A_353 = vector.broadcast %jit3A_352 : i32 to vector<16xi32>
        %select_n3A_354 = arith.select %gt3A_351, %broadcast_in_dim3A_353, %select_n3A_341 : vector<16xi1>, vector<16xi32>
        %max3A_355 = arith.maximumf %max3A_342, %mul3A_350 : vector<16xf32>
        %get3A_356 = arith.constant 0 : i32
        %get3A_357 = arith.constant 13 : i32
        %get3A_358 = arith.index_cast %get3A_356 : i32 to index
        %get3A_359 = arith.index_cast %get3A_357 : i32 to index
        %get3A_360 = arith.index_cast %mul3A_189 : i32 to index
        %get3A_361 = tpu.vector_load %arg7[%get3A_358, %get3A_359, %get3A_360] {strides = array<i32>} : memref<2x32x640xf32, #tpu.memory_space<vmem>>, vector<1x1x16xf32>,
        %get3A_362 = vector.shape_cast %get3A_361 : vector<1x1x16xf32> to vector<16xf32>
        %mul3A_363 = arith.mulf %get3A_192, %get3A_362 : vector<16xf32>
        %gt3A_364 = arith.cmpf ogt, %mul3A_363, %max3A_355 : vector<16xf32>
        %jit3A_365 = arith.constant 13 : i32
        %broadcast_in_dim3A_366 = vector.broadcast %jit3A_365 : i32 to vector<16xi32>
        %select_n3A_367 = arith.select %gt3A_364, %broadcast_in_dim3A_366, %select_n3A_354 : vector<16xi1>, vector<16xi32>
        %max3A_368 = arith.maximumf %max3A_355, %mul3A_363 : vector<16xf32>
        %get3A_369 = arith.constant 0 : i32
        %get3A_370 = arith.constant 14 : i32
        %get3A_371 = arith.index_cast %get3A_369 : i32 to index
        %get3A_372 = arith.index_cast %get3A_370 : i32 to index
        %get3A_373 = arith.index_cast %mul3A_189 : i32 to index
        %get3A_374 = tpu.vector_load %arg7[%get3A_371, %get3A_372, %get3A_373] {strides = array<i32>} : memref<2x32x640xf32, #tpu.memory_space<vmem>>, vector<1x1x16xf32>,
        %get3A_375 = vector.shape_cast %get3A_374 : vector<1x1x16xf32> to vector<16xf32>
        %mul3A_376 = arith.mulf %get3A_192, %get3A_375 : vector<16xf32>
        %gt3A_377 = arith.cmpf ogt, %mul3A_376, %max3A_368 : vector<16xf32>
        %jit3A_378 = arith.constant 14 : i32
        %broadcast_in_dim3A_379 = vector.broadcast %jit3A_378 : i32 to vector<16xi32>
        %select_n3A_380 = arith.select %gt3A_377, %broadcast_in_dim3A_379, %select_n3A_367 : vector<16xi1>, vector<16xi32>
        %max3A_381 = arith.maximumf %max3A_368, %mul3A_376 : vector<16xf32>
        %get3A_382 = arith.constant 0 : i32
        %get3A_383 = arith.constant 15 : i32
        %get3A_384 = arith.index_cast %get3A_382 : i32 to index
        %get3A_385 = arith.index_cast %get3A_383 : i32 to index
        %get3A_386 = arith.index_cast %mul3A_189 : i32 to index
        %get3A_387 = tpu.vector_load %arg7[%get3A_384, %get3A_385, %get3A_386] {strides = array<i32>} : memref<2x32x640xf32, #tpu.memory_space<vmem>>, vector<1x1x16xf32>,
        %get3A_388 = vector.shape_cast %get3A_387 : vector<1x1x16xf32> to vector<16xf32>
        %mul3A_389 = arith.mulf %get3A_192, %get3A_388 : vector<16xf32>
        %gt3A_390 = arith.cmpf ogt, %mul3A_389, %max3A_381 : vector<16xf32>
        %jit3A_391 = arith.constant 15 : i32
        %broadcast_in_dim3A_392 = vector.broadcast %jit3A_391 : i32 to vector<16xi32>
        %select_n3A_393 = arith.select %gt3A_390, %broadcast_in_dim3A_392, %select_n3A_380 : vector<16xi1>, vector<16xi32>
        %max3A_394 = arith.maximumf %max3A_381, %mul3A_389 : vector<16xf32>
        %get3A_395 = arith.constant 0 : i32
        %get3A_396 = arith.constant 16 : i32
        %get3A_397 = arith.index_cast %get3A_395 : i32 to index
        %get3A_398 = arith.index_cast %get3A_396 : i32 to index
        %get3A_399 = arith.index_cast %mul3A_189 : i32 to index
        %get3A_400 = tpu.vector_load %arg7[%get3A_397, %get3A_398, %get3A_399] {strides = array<i32>} : memref<2x32x640xf32, #tpu.memory_space<vmem>>, vector<1x1x16xf32>,
        %get3A_401 = vector.shape_cast %get3A_400 : vector<1x1x16xf32> to vector<16xf32>
        %mul3A_402 = arith.mulf %get3A_192, %get3A_401 : vector<16xf32>
        %gt3A_403 = arith.cmpf ogt, %mul3A_402, %max3A_394 : vector<16xf32>
        %jit3A_404 = arith.constant 16 : i32
        %broadcast_in_dim3A_405 = vector.broadcast %jit3A_404 : i32 to vector<16xi32>
        %select_n3A_406 = arith.select %gt3A_403, %broadcast_in_dim3A_405, %select_n3A_393 : vector<16xi1>, vector<16xi32>
        %max3A_407 = arith.maximumf %max3A_394, %mul3A_402 : vector<16xf32>
        %get3A_408 = arith.constant 0 : i32
        %get3A_409 = arith.constant 17 : i32
        %get3A_410 = arith.index_cast %get3A_408 : i32 to index
        %get3A_411 = arith.index_cast %get3A_409 : i32 to index
        %get3A_412 = arith.index_cast %mul3A_189 : i32 to index
        %get3A_413 = tpu.vector_load %arg7[%get3A_410, %get3A_411, %get3A_412] {strides = array<i32>} : memref<2x32x640xf32, #tpu.memory_space<vmem>>, vector<1x1x16xf32>,
        %get3A_414 = vector.shape_cast %get3A_413 : vector<1x1x16xf32> to vector<16xf32>
        %mul3A_415 = arith.mulf %get3A_192, %get3A_414 : vector<16xf32>
        %gt3A_416 = arith.cmpf ogt, %mul3A_415, %max3A_407 : vector<16xf32>
        %jit3A_417 = arith.constant 17 : i32
        %broadcast_in_dim3A_418 = vector.broadcast %jit3A_417 : i32 to vector<16xi32>
        %select_n3A_419 = arith.select %gt3A_416, %broadcast_in_dim3A_418, %select_n3A_406 : vector<16xi1>, vector<16xi32>
        %max3A_420 = arith.maximumf %max3A_407, %mul3A_415 : vector<16xf32>
        %get3A_421 = arith.constant 0 : i32
        %get3A_422 = arith.constant 18 : i32
        %get3A_423 = arith.index_cast %get3A_421 : i32 to index
        %get3A_424 = arith.index_cast %get3A_422 : i32 to index
        %get3A_425 = arith.index_cast %mul3A_189 : i32 to index
        %get3A_426 = tpu.vector_load %arg7[%get3A_423, %get3A_424, %get3A_425] {strides = array<i32>} : memref<2x32x640xf32, #tpu.memory_space<vmem>>, vector<1x1x16xf32>,
        %get3A_427 = vector.shape_cast %get3A_426 : vector<1x1x16xf32> to vector<16xf32>
        %mul3A_428 = arith.mulf %get3A_192, %get3A_427 : vector<16xf32>
        %gt3A_429 = arith.cmpf ogt, %mul3A_428, %max3A_420 : vector<16xf32>
        %jit3A_430 = arith.constant 18 : i32
        %broadcast_in_dim3A_431 = vector.broadcast %jit3A_430 : i32 to vector<16xi32>
        %select_n3A_432 = arith.select %gt3A_429, %broadcast_in_dim3A_431, %select_n3A_419 : vector<16xi1>, vector<16xi32>
        %max3A_433 = arith.maximumf %max3A_420, %mul3A_428 : vector<16xf32>
        %get3A_434 = arith.constant 0 : i32
        %get3A_435 = arith.constant 19 : i32
        %get3A_436 = arith.index_cast %get3A_434 : i32 to index
        %get3A_437 = arith.index_cast %get3A_435 : i32 to index
        %get3A_438 = arith.index_cast %mul3A_189 : i32 to index
        %get3A_439 = tpu.vector_load %arg7[%get3A_436, %get3A_437, %get3A_438] {strides = array<i32>} : memref<2x32x640xf32, #tpu.memory_space<vmem>>, vector<1x1x16xf32>,
        %get3A_440 = vector.shape_cast %get3A_439 : vector<1x1x16xf32> to vector<16xf32>
        %mul3A_441 = arith.mulf %get3A_192, %get3A_440 : vector<16xf32>
        %gt3A_442 = arith.cmpf ogt, %mul3A_441, %max3A_433 : vector<16xf32>
        %jit3A_443 = arith.constant 19 : i32
        %broadcast_in_dim3A_444 = vector.broadcast %jit3A_443 : i32 to vector<16xi32>
        %select_n3A_445 = arith.select %gt3A_442, %broadcast_in_dim3A_444, %select_n3A_432 : vector<16xi1>, vector<16xi32>
        %max3A_446 = arith.maximumf %max3A_433, %mul3A_441 : vector<16xf32>
        %get3A_447 = arith.constant 0 : i32
        %get3A_448 = arith.constant 20 : i32
        %get3A_449 = arith.index_cast %get3A_447 : i32 to index
        %get3A_450 = arith.index_cast %get3A_448 : i32 to index
        %get3A_451 = arith.index_cast %mul3A_189 : i32 to index
        %get3A_452 = tpu.vector_load %arg7[%get3A_449, %get3A_450, %get3A_451] {strides = array<i32>} : memref<2x32x640xf32, #tpu.memory_space<vmem>>, vector<1x1x16xf32>,
        %get3A_453 = vector.shape_cast %get3A_452 : vector<1x1x16xf32> to vector<16xf32>
        %mul3A_454 = arith.mulf %get3A_192, %get3A_453 : vector<16xf32>
        %gt3A_455 = arith.cmpf ogt, %mul3A_454, %max3A_446 : vector<16xf32>
        %jit3A_456 = arith.constant 20 : i32
        %broadcast_in_dim3A_457 = vector.broadcast %jit3A_456 : i32 to vector<16xi32>
        %select_n3A_458 = arith.select %gt3A_455, %broadcast_in_dim3A_457, %select_n3A_445 : vector<16xi1>, vector<16xi32>
        %max3A_459 = arith.maximumf %max3A_446, %mul3A_454 : vector<16xf32>
        %get3A_460 = arith.constant 0 : i32
        %get3A_461 = arith.constant 21 : i32
        %get3A_462 = arith.index_cast %get3A_460 : i32 to index
        %get3A_463 = arith.index_cast %get3A_461 : i32 to index
        %get3A_464 = arith.index_cast %mul3A_189 : i32 to index
        %get3A_465 = tpu.vector_load %arg7[%get3A_462, %get3A_463, %get3A_464] {strides = array<i32>} : memref<2x32x640xf32, #tpu.memory_space<vmem>>, vector<1x1x16xf32>,
        %get3A_466 = vector.shape_cast %get3A_465 : vector<1x1x16xf32> to vector<16xf32>
        %mul3A_467 = arith.mulf %get3A_192, %get3A_466 : vector<16xf32>
        %gt3A_468 = arith.cmpf ogt, %mul3A_467, %max3A_459 : vector<16xf32>
        %jit3A_469 = arith.constant 21 : i32
        %broadcast_in_dim3A_470 = vector.broadcast %jit3A_469 : i32 to vector<16xi32>
        %select_n3A_471 = arith.select %gt3A_468, %broadcast_in_dim3A_470, %select_n3A_458 : vector<16xi1>, vector<16xi32>
        %max3A_472 = arith.maximumf %max3A_459, %mul3A_467 : vector<16xf32>
        %get3A_473 = arith.constant 0 : i32
        %get3A_474 = arith.constant 22 : i32
        %get3A_475 = arith.index_cast %get3A_473 : i32 to index
        %get3A_476 = arith.index_cast %get3A_474 : i32 to index
        %get3A_477 = arith.index_cast %mul3A_189 : i32 to index
        %get3A_478 = tpu.vector_load %arg7[%get3A_475, %get3A_476, %get3A_477] {strides = array<i32>} : memref<2x32x640xf32, #tpu.memory_space<vmem>>, vector<1x1x16xf32>,
        %get3A_479 = vector.shape_cast %get3A_478 : vector<1x1x16xf32> to vector<16xf32>
        %mul3A_480 = arith.mulf %get3A_192, %get3A_479 : vector<16xf32>
        %gt3A_481 = arith.cmpf ogt, %mul3A_480, %max3A_472 : vector<16xf32>
        %jit3A_482 = arith.constant 22 : i32
        %broadcast_in_dim3A_483 = vector.broadcast %jit3A_482 : i32 to vector<16xi32>
        %select_n3A_484 = arith.select %gt3A_481, %broadcast_in_dim3A_483, %select_n3A_471 : vector<16xi1>, vector<16xi32>
        %max3A_485 = arith.maximumf %max3A_472, %mul3A_480 : vector<16xf32>
        %get3A_486 = arith.constant 0 : i32
        %get3A_487 = arith.constant 23 : i32
        %get3A_488 = arith.index_cast %get3A_486 : i32 to index
        %get3A_489 = arith.index_cast %get3A_487 : i32 to index
        %get3A_490 = arith.index_cast %mul3A_189 : i32 to index
        %get3A_491 = tpu.vector_load %arg7[%get3A_488, %get3A_489, %get3A_490] {strides = array<i32>} : memref<2x32x640xf32, #tpu.memory_space<vmem>>, vector<1x1x16xf32>,
        %get3A_492 = vector.shape_cast %get3A_491 : vector<1x1x16xf32> to vector<16xf32>
        %mul3A_493 = arith.mulf %get3A_192, %get3A_492 : vector<16xf32>
        %gt3A_494 = arith.cmpf ogt, %mul3A_493, %max3A_485 : vector<16xf32>
        %jit3A_495 = arith.constant 23 : i32
        %broadcast_in_dim3A_496 = vector.broadcast %jit3A_495 : i32 to vector<16xi32>
        %select_n3A_497 = arith.select %gt3A_494, %broadcast_in_dim3A_496, %select_n3A_484 : vector<16xi1>, vector<16xi32>
        %max3A_498 = arith.maximumf %max3A_485, %mul3A_493 : vector<16xf32>
        %get3A_499 = arith.constant 0 : i32
        %get3A_500 = arith.constant 24 : i32
        %get3A_501 = arith.index_cast %get3A_499 : i32 to index
        %get3A_502 = arith.index_cast %get3A_500 : i32 to index
        %get3A_503 = arith.index_cast %mul3A_189 : i32 to index
        %get3A_504 = tpu.vector_load %arg7[%get3A_501, %get3A_502, %get3A_503] {strides = array<i32>} : memref<2x32x640xf32, #tpu.memory_space<vmem>>, vector<1x1x16xf32>,
        %get3A_505 = vector.shape_cast %get3A_504 : vector<1x1x16xf32> to vector<16xf32>
        %mul3A_506 = arith.mulf %get3A_192, %get3A_505 : vector<16xf32>
        %gt3A_507 = arith.cmpf ogt, %mul3A_506, %max3A_498 : vector<16xf32>
        %jit3A_508 = arith.constant 24 : i32
        %broadcast_in_dim3A_509 = vector.broadcast %jit3A_508 : i32 to vector<16xi32>
        %select_n3A_510 = arith.select %gt3A_507, %broadcast_in_dim3A_509, %select_n3A_497 : vector<16xi1>, vector<16xi32>
        %max3A_511 = arith.maximumf %max3A_498, %mul3A_506 : vector<16xf32>
        %get3A_512 = arith.constant 0 : i32
        %get3A_513 = arith.constant 25 : i32
        %get3A_514 = arith.index_cast %get3A_512 : i32 to index
        %get3A_515 = arith.index_cast %get3A_513 : i32 to index
        %get3A_516 = arith.index_cast %mul3A_189 : i32 to index
        %get3A_517 = tpu.vector_load %arg7[%get3A_514, %get3A_515, %get3A_516] {strides = array<i32>} : memref<2x32x640xf32, #tpu.memory_space<vmem>>, vector<1x1x16xf32>,
        %get3A_518 = vector.shape_cast %get3A_517 : vector<1x1x16xf32> to vector<16xf32>
        %mul3A_519 = arith.mulf %get3A_192, %get3A_518 : vector<16xf32>
        %gt3A_520 = arith.cmpf ogt, %mul3A_519, %max3A_511 : vector<16xf32>
        %jit3A_521 = arith.constant 25 : i32
        %broadcast_in_dim3A_522 = vector.broadcast %jit3A_521 : i32 to vector<16xi32>
        %select_n3A_523 = arith.select %gt3A_520, %broadcast_in_dim3A_522, %select_n3A_510 : vector<16xi1>, vector<16xi32>
        %max3A_524 = arith.maximumf %max3A_511, %mul3A_519 : vector<16xf32>
        %get3A_525 = arith.constant 0 : i32
        %get3A_526 = arith.constant 26 : i32
        %get3A_527 = arith.index_cast %get3A_525 : i32 to index
        %get3A_528 = arith.index_cast %get3A_526 : i32 to index
        %get3A_529 = arith.index_cast %mul3A_189 : i32 to index
        %get3A_530 = tpu.vector_load %arg7[%get3A_527, %get3A_528, %get3A_529] {strides = array<i32>} : memref<2x32x640xf32, #tpu.memory_space<vmem>>, vector<1x1x16xf32>,
        %get3A_531 = vector.shape_cast %get3A_530 : vector<1x1x16xf32> to vector<16xf32>
        %mul3A_532 = arith.mulf %get3A_192, %get3A_531 : vector<16xf32>
        %gt3A_533 = arith.cmpf ogt, %mul3A_532, %max3A_524 : vector<16xf32>
        %jit3A_534 = arith.constant 26 : i32
        %broadcast_in_dim3A_535 = vector.broadcast %jit3A_534 : i32 to vector<16xi32>
        %select_n3A_536 = arith.select %gt3A_533, %broadcast_in_dim3A_535, %select_n3A_523 : vector<16xi1>, vector<16xi32>
        %max3A_537 = arith.maximumf %max3A_524, %mul3A_532 : vector<16xf32>
        %get3A_538 = arith.constant 0 : i32
        %get3A_539 = arith.constant 27 : i32
        %get3A_540 = arith.index_cast %get3A_538 : i32 to index
        %get3A_541 = arith.index_cast %get3A_539 : i32 to index
        %get3A_542 = arith.index_cast %mul3A_189 : i32 to index
        %get3A_543 = tpu.vector_load %arg7[%get3A_540, %get3A_541, %get3A_542] {strides = array<i32>} : memref<2x32x640xf32, #tpu.memory_space<vmem>>, vector<1x1x16xf32>,
        %get3A_544 = vector.shape_cast %get3A_543 : vector<1x1x16xf32> to vector<16xf32>
        %mul3A_545 = arith.mulf %get3A_192, %get3A_544 : vector<16xf32>
        %gt3A_546 = arith.cmpf ogt, %mul3A_545, %max3A_537 : vector<16xf32>
        %jit3A_547 = arith.constant 27 : i32
        %broadcast_in_dim3A_548 = vector.broadcast %jit3A_547 : i32 to vector<16xi32>
        %select_n3A_549 = arith.select %gt3A_546, %broadcast_in_dim3A_548, %select_n3A_536 : vector<16xi1>, vector<16xi32>
        %max3A_550 = arith.maximumf %max3A_537, %mul3A_545 : vector<16xf32>
        %get3A_551 = arith.constant 0 : i32
        %get3A_552 = arith.constant 28 : i32
        %get3A_553 = arith.index_cast %get3A_551 : i32 to index
        %get3A_554 = arith.index_cast %get3A_552 : i32 to index
        %get3A_555 = arith.index_cast %mul3A_189 : i32 to index
        %get3A_556 = tpu.vector_load %arg7[%get3A_553, %get3A_554, %get3A_555] {strides = array<i32>} : memref<2x32x640xf32, #tpu.memory_space<vmem>>, vector<1x1x16xf32>,
        %get3A_557 = vector.shape_cast %get3A_556 : vector<1x1x16xf32> to vector<16xf32>
        %mul3A_558 = arith.mulf %get3A_192, %get3A_557 : vector<16xf32>
        %gt3A_559 = arith.cmpf ogt, %mul3A_558, %max3A_550 : vector<16xf32>
        %jit3A_560 = arith.constant 28 : i32
        %broadcast_in_dim3A_561 = vector.broadcast %jit3A_560 : i32 to vector<16xi32>
        %select_n3A_562 = arith.select %gt3A_559, %broadcast_in_dim3A_561, %select_n3A_549 : vector<16xi1>, vector<16xi32>
        %max3A_563 = arith.maximumf %max3A_550, %mul3A_558 : vector<16xf32>
        %get3A_564 = arith.constant 0 : i32
        %get3A_565 = arith.constant 29 : i32
        %get3A_566 = arith.index_cast %get3A_564 : i32 to index
        %get3A_567 = arith.index_cast %get3A_565 : i32 to index
        %get3A_568 = arith.index_cast %mul3A_189 : i32 to index
        %get3A_569 = tpu.vector_load %arg7[%get3A_566, %get3A_567, %get3A_568] {strides = array<i32>} : memref<2x32x640xf32, #tpu.memory_space<vmem>>, vector<1x1x16xf32>,
        %get3A_570 = vector.shape_cast %get3A_569 : vector<1x1x16xf32> to vector<16xf32>
        %mul3A_571 = arith.mulf %get3A_192, %get3A_570 : vector<16xf32>
        %gt3A_572 = arith.cmpf ogt, %mul3A_571, %max3A_563 : vector<16xf32>
        %jit3A_573 = arith.constant 29 : i32
        %broadcast_in_dim3A_574 = vector.broadcast %jit3A_573 : i32 to vector<16xi32>
        %select_n3A_575 = arith.select %gt3A_572, %broadcast_in_dim3A_574, %select_n3A_562 : vector<16xi1>, vector<16xi32>
        %max3A_576 = arith.maximumf %max3A_563, %mul3A_571 : vector<16xf32>
        %get3A_577 = arith.constant 0 : i32
        %get3A_578 = arith.constant 30 : i32
        %get3A_579 = arith.index_cast %get3A_577 : i32 to index
        %get3A_580 = arith.index_cast %get3A_578 : i32 to index
        %get3A_581 = arith.index_cast %mul3A_189 : i32 to index
        %get3A_582 = tpu.vector_load %arg7[%get3A_579, %get3A_580, %get3A_581] {strides = array<i32>} : memref<2x32x640xf32, #tpu.memory_space<vmem>>, vector<1x1x16xf32>,
        %get3A_583 = vector.shape_cast %get3A_582 : vector<1x1x16xf32> to vector<16xf32>
        %mul3A_584 = arith.mulf %get3A_192, %get3A_583 : vector<16xf32>
        %gt3A_585 = arith.cmpf ogt, %mul3A_584, %max3A_576 : vector<16xf32>
        %jit3A_586 = arith.constant 30 : i32
        %broadcast_in_dim3A_587 = vector.broadcast %jit3A_586 : i32 to vector<16xi32>
        %select_n3A_588 = arith.select %gt3A_585, %broadcast_in_dim3A_587, %select_n3A_575 : vector<16xi1>, vector<16xi32>
        %max3A_589 = arith.maximumf %max3A_576, %mul3A_584 : vector<16xf32>
        %get3A_590 = arith.constant 0 : i32
        %get3A_591 = arith.constant 31 : i32
        %get3A_592 = arith.index_cast %get3A_590 : i32 to index
        %get3A_593 = arith.index_cast %get3A_591 : i32 to index
        %get3A_594 = arith.index_cast %mul3A_189 : i32 to index
        %get3A_595 = tpu.vector_load %arg7[%get3A_592, %get3A_593, %get3A_594] {strides = array<i32>} : memref<2x32x640xf32, #tpu.memory_space<vmem>>, vector<1x1x16xf32>,
        %get3A_596 = vector.shape_cast %get3A_595 : vector<1x1x16xf32> to vector<16xf32>
        %mul3A_597 = arith.mulf %get3A_192, %get3A_596 : vector<16xf32>
        %gt3A_598 = arith.cmpf ogt, %mul3A_597, %max3A_589 : vector<16xf32>
        %jit3A_599 = arith.constant 31 : i32
        %broadcast_in_dim3A_600 = vector.broadcast %jit3A_599 : i32 to vector<16xi32>
        %select_n3A_601 = arith.select %gt3A_598, %broadcast_in_dim3A_600, %select_n3A_588 : vector<16xi1>, vector<16xi32>
        %max3A_602 = arith.maximumf %max3A_589, %mul3A_597 : vector<16xf32>
        %swap3A = arith.index_cast %select_n3A : i32 to index
        %swap3A_603 = arith.index_cast %sub3A_111 : i32 to index
        %swap3A_604 = arith.index_cast %mul3A_189 : i32 to index
        %swap3A_605 = tpu.vector_load %arg8[%swap3A, %swap3A_603, %swap3A_604] {strides = array<i32>} : memref<4x3x640xf32, #tpu.memory_space<vmem>>, vector<1x1x16xf32>,
        %swap3A_606 = vector.shape_cast %swap3A_605 : vector<1x1x16xf32> to vector<16xf32>
        %swap3A_607 = vector.shape_cast %max3A_602 : vector<16xf32> to vector<1x1x16xf32>
        tpu.vector_store %arg8[%swap3A, %swap3A_603, %swap3A_604], %swap3A_607 {strides = array<i32>} : memref<4x3x640xf32, #tpu.memory_space<vmem>>, vector<1x1x16xf32>,
        %swap3A_608 = arith.index_cast %select_n3A : i32 to index
        %swap3A_609 = arith.index_cast %sub3A_111 : i32 to index
        %swap3A_610 = arith.index_cast %mul3A_189 : i32 to index
        %swap3A_611 = tpu.vector_load %arg9[%swap3A_608, %swap3A_609, %swap3A_610] {strides = array<i32>} : memref<4x3x640xi32, #tpu.memory_space<vmem>>, vector<1x1x16xi32>,
        %swap3A_612 = vector.shape_cast %swap3A_611 : vector<1x1x16xi32> to vector<16xi32>
        %swap3A_613 = vector.shape_cast %select_n3A_601 : vector<16xi32> to vector<1x1x16xi32>
        tpu.vector_store %arg9[%swap3A_608, %swap3A_609, %swap3A_610], %swap3A_613 {strides = array<i32>} : memref<4x3x640xi32, #tpu.memory_space<vmem>>, vector<1x1x16xi32>,
      }
      %scan3A_116 = arith.constant 40 : i32
      %mul3A_117 = arith.constant 2 : i32
      %mul3A_118 = arith.muli %mul3A_117, %add3A_59 : i32
      %add3A_119 = arith.constant 1 : i32
      %add3A_120 = arith.addi %mul3A_118, %add3A_119 : i32
      %add3A_121 = arith.constant 1 : i32
      %add3A_122 = arith.addi %add3A_120, %add3A_121 : i32
      %min3A_123 = arith.constant 11 : i32
      %min3A_124 = arith.minsi %add3A_122, %min3A_123 : i32
      %mul3A_125 = arith.constant 32 : i32
      %mul3A_126 = arith.muli %min3A_124, %mul3A_125 : i32
      %dma_start3A_127 = arith.constant 0 : i32
      %dma_start3A_128 = arith.constant 0 : i32
      %dma_start3A_129 = arith.constant 0 : i32
      %dma_start3A_130 = tpu.memref_slice %arg7[%dma_start3A_127, %dma_start3A_128, %dma_start3A_129] : memref<2x32x640xf32, #tpu.memory_space<vmem>> -> memref<1x32x640xf32, #tpu.memory_space<vmem>>
      %dma_start3A_131 = tpu.memref_squeeze %dma_start3A_130 : memref<1x32x640xf32, #tpu.memory_space<vmem>> -> memref<32x640xf32, #tpu.memory_space<vmem>>
      %dma_start3A_132 = tpu.memref_slice %arg3[%mul3A_126, %mul3A_2] : memref<384x32768xf32, #tpu.memory_space<hbm>> -> memref<32x640xf32, #tpu.memory_space<hbm>>
      %dma_start3A_133 = arith.constant 0 : i32
      %dma_start3A_134 = arith.constant 0 : i32
      %dma_start3A_135 = tpu.memref_slice %arg7[%dma_start3A_127, %dma_start3A_133, %dma_start3A_134] : memref<2x32x640xf32, #tpu.memory_space<vmem>> -> memref<1x32x640xf32, #tpu.memory_space<vmem>>
      %dma_start3A_136 = tpu.memref_squeeze %dma_start3A_135 : memref<1x32x640xf32, #tpu.memory_space<vmem>> -> memref<32x640xf32, #tpu.memory_space<vmem>>
      %dma_start3A_137 = tpu.memref_slice %arg3[%mul3A_126, %mul3A_2] : memref<384x32768xf32, #tpu.memory_space<hbm>> -> memref<32x640xf32, #tpu.memory_space<hbm>>
      tpu.enqueue_dma source(%dma_start3A_137 : memref<32x640xf32, #tpu.memory_space<hbm>>) target(%dma_start3A_136 : memref<32x640xf32, #tpu.memory_space<vmem>>) target_semaphore(%arg10 : memref<!tpu.dma_semaphore, #tpu.memory_space<semaphore_mem>>)
      %mul3A_138 = arith.constant 32 : i32
      %mul3A_139 = arith.muli %add3A_120, %mul3A_138 : i32
      %dma_wait3A_140 = arith.constant 1 : i32
      %dma_wait3A_141 = arith.constant 0 : i32
      %dma_wait3A_142 = arith.constant 0 : i32
      %dma_wait3A_143 = tpu.memref_slice %arg7[%dma_wait3A_140, %dma_wait3A_141, %dma_wait3A_142] : memref<2x32x640xf32, #tpu.memory_space<vmem>> -> memref<1x32x640xf32, #tpu.memory_space<vmem>>
      %dma_wait3A_144 = tpu.memref_squeeze %dma_wait3A_143 : memref<1x32x640xf32, #tpu.memory_space<vmem>> -> memref<32x640xf32, #tpu.memory_space<vmem>>
      %dma_wait3A_145 = tpu.memref_slice %arg3[%mul3A_139, %mul3A_2] : memref<384x32768xf32, #tpu.memory_space<hbm>> -> memref<32x640xf32, #tpu.memory_space<hbm>>
      %dma_wait3A_146 = arith.constant 0 : i32
      %dma_wait3A_147 = arith.constant 0 : i32
      %dma_wait3A_148 = tpu.memref_slice %arg7[%dma_wait3A_140, %dma_wait3A_146, %dma_wait3A_147] : memref<2x32x640xf32, #tpu.memory_space<vmem>> -> memref<1x32x640xf32, #tpu.memory_space<vmem>>
      %dma_wait3A_149 = tpu.memref_squeeze %dma_wait3A_148 : memref<1x32x640xf32, #tpu.memory_space<vmem>> -> memref<32x640xf32, #tpu.memory_space<vmem>>
      %dma_wait3A_150 = tpu.memref_slice %arg3[%mul3A_139, %mul3A_2] : memref<384x32768xf32, #tpu.memory_space<hbm>> -> memref<32x640xf32, #tpu.memory_space<hbm>>
      tpu.wait_dma2 semaphore(%arg11 : memref<!tpu.dma_semaphore, #tpu.memory_space<semaphore_mem>>) src(%dma_wait3A_150 : memref<32x640xf32, #tpu.memory_space<hbm>>) dst(%dma_wait3A_149 : memref<32x640xf32, #tpu.memory_space<vmem>>)
      %jit3A_151 = arith.constant 3 : i32
      %div3A_152 = arith.divsi %add3A_120, %jit3A_151 : i32
      %sign3A_153 = arith.constant 0 : i32
      %sign3A_154 = arith.cmpi sgt, %add3A_120, %sign3A_153 : i32
      %sign3A_155 = arith.extui %sign3A_154 : i1 to i32
      %sign3A_156 = arith.constant 0 : i32
      %sign3A_157 = arith.cmpi slt, %add3A_120, %sign3A_156 : i32
      %sign3A_158 = arith.extui %sign3A_157 : i1 to i32
      %sign3A_159 = arith.subi %sign3A_155, %sign3A_158 : i32
      %sign3A_160 = arith.constant 0 : i32
      %sign3A_161 = arith.cmpi sgt, %jit3A_151, %sign3A_160 : i32
      %sign3A_162 = arith.extui %sign3A_161 : i1 to i32
      %sign3A_163 = arith.constant 0 : i32
      %sign3A_164 = arith.cmpi slt, %jit3A_151, %sign3A_163 : i32
      %sign3A_165 = arith.extui %sign3A_164 : i1 to i32
      %sign3A_166 = arith.subi %sign3A_162, %sign3A_165 : i32
      %ne3A_167 = arith.cmpi ne, %sign3A_159, %sign3A_166 : i32
      %rem3A_168 = arith.remsi %add3A_120, %jit3A_151 : i32
      %ne3A_169 = arith.constant 0 : i32
      %ne3A_170 = arith.cmpi ne, %rem3A_168, %ne3A_169 : i32
      %and3A_171 = arith.andi %ne3A_167, %ne3A_170 : i1
      %sub3A_172 = arith.constant 1 : i32
      %sub3A_173 = arith.subi %div3A_152, %sub3A_172 : i32
      %select_n3A_174 = arith.select %and3A_171, %sub3A_173, %div3A_152 : i32
      %mul3A_175 = arith.constant 3 : i32
      %mul3A_176 = arith.muli %select_n3A_174, %mul3A_175 : i32
      %sub3A_177 = arith.subi %add3A_120, %mul3A_176 : i32
      %scan3A_178 = arith.constant 0 : i32
      %scan3A_179 = arith.constant 40 : i32
      %scan3A_180 = arith.addi %scan3A_178, %scan3A_179 : i32
      %scan3A_181 = arith.constant 1 : i32
      scf.for %scan3A_183 = %scan3A_178 to %scan3A_180 step %scan3A_181  : i32 {
        %mul3A_184 = arith.constant 1 : i32
        %mul3A_185 = arith.muli %scan3A_183, %mul3A_184 : i32
        %add3A_186 = arith.constant 0 : i32
        %add3A_187 = arith.addi %add3A_186, %mul3A_185 : i32
        %mul3A_188 = arith.constant 16 : i32
        %mul3A_189 = arith.muli %add3A_187, %mul3A_188 : i32
        %get3A = arith.index_cast %select_n3A_174 : i32 to index
        %get3A_190 = arith.index_cast %mul3A_189 : i32 to index
        %get3A_191 = tpu.vector_load %arg6[%get3A, %get3A_190] {strides = array<i32>} : memref<4x640xf32, #tpu.memory_space<vmem>>, vector<1x16xf32>,
        %get3A_192 = vector.shape_cast %get3A_191 : vector<1x16xf32> to vector<16xf32>
        %get3A_193 = arith.constant 1 : i32
        %get3A_194 = arith.constant 0 : i32
        %get3A_195 = arith.index_cast %get3A_193 : i32 to index
        %get3A_196 = arith.index_cast %get3A_194 : i32 to index
        %get3A_197 = arith.index_cast %mul3A_189 : i32 to index
        %get3A_198 = tpu.vector_load %arg7[%get3A_195, %get3A_196, %get3A_197] {strides = array<i32>} : memref<2x32x640xf32, #tpu.memory_space<vmem>>, vector<1x1x16xf32>,
        %get3A_199 = vector.shape_cast %get3A_198 : vector<1x1x16xf32> to vector<16xf32>
        %mul3A_200 = arith.mulf %get3A_192, %get3A_199 : vector<16xf32>
        %broadcast_in_dim3A = arith.constant 0 : i32
        %broadcast_in_dim3A_201 = vector.broadcast %broadcast_in_dim3A : i32 to vector<16xi32>
        %get3A_202 = arith.constant 1 : i32
        %get3A_203 = arith.constant 1 : i32
        %get3A_204 = arith.index_cast %get3A_202 : i32 to index
        %get3A_205 = arith.index_cast %get3A_203 : i32 to index
        %get3A_206 = arith.index_cast %mul3A_189 : i32 to index
        %get3A_207 = tpu.vector_load %arg7[%get3A_204, %get3A_205, %get3A_206] {strides = array<i32>} : memref<2x32x640xf32, #tpu.memory_space<vmem>>, vector<1x1x16xf32>,
        %get3A_208 = vector.shape_cast %get3A_207 : vector<1x1x16xf32> to vector<16xf32>
        %mul3A_209 = arith.mulf %get3A_192, %get3A_208 : vector<16xf32>
        %gt3A = arith.cmpf ogt, %mul3A_209, %mul3A_200 : vector<16xf32>
        %jit3A_210 = arith.constant 1 : i32
        %broadcast_in_dim3A_211 = vector.broadcast %jit3A_210 : i32 to vector<16xi32>
        %select_n3A_212 = arith.select %gt3A, %broadcast_in_dim3A_211, %broadcast_in_dim3A_201 : vector<16xi1>, vector<16xi32>
        %max3A = arith.maximumf %mul3A_200, %mul3A_209 : vector<16xf32>
        %get3A_213 = arith.constant 1 : i32
        %get3A_214 = arith.constant 2 : i32
        %get3A_215 = arith.index_cast %get3A_213 : i32 to index
        %get3A_216 = arith.index_cast %get3A_214 : i32 to index
        %get3A_217 = arith.index_cast %mul3A_189 : i32 to index
        %get3A_218 = tpu.vector_load %arg7[%get3A_215, %get3A_216, %get3A_217] {strides = array<i32>} : memref<2x32x640xf32, #tpu.memory_space<vmem>>, vector<1x1x16xf32>,
        %get3A_219 = vector.shape_cast %get3A_218 : vector<1x1x16xf32> to vector<16xf32>
        %mul3A_220 = arith.mulf %get3A_192, %get3A_219 : vector<16xf32>
        %gt3A_221 = arith.cmpf ogt, %mul3A_220, %max3A : vector<16xf32>
        %jit3A_222 = arith.constant 2 : i32
        %broadcast_in_dim3A_223 = vector.broadcast %jit3A_222 : i32 to vector<16xi32>
        %select_n3A_224 = arith.select %gt3A_221, %broadcast_in_dim3A_223, %select_n3A_212 : vector<16xi1>, vector<16xi32>
        %max3A_225 = arith.maximumf %max3A, %mul3A_220 : vector<16xf32>
        %get3A_226 = arith.constant 1 : i32
        %get3A_227 = arith.constant 3 : i32
        %get3A_228 = arith.index_cast %get3A_226 : i32 to index
        %get3A_229 = arith.index_cast %get3A_227 : i32 to index
        %get3A_230 = arith.index_cast %mul3A_189 : i32 to index
        %get3A_231 = tpu.vector_load %arg7[%get3A_228, %get3A_229, %get3A_230] {strides = array<i32>} : memref<2x32x640xf32, #tpu.memory_space<vmem>>, vector<1x1x16xf32>,
        %get3A_232 = vector.shape_cast %get3A_231 : vector<1x1x16xf32> to vector<16xf32>
        %mul3A_233 = arith.mulf %get3A_192, %get3A_232 : vector<16xf32>
        %gt3A_234 = arith.cmpf ogt, %mul3A_233, %max3A_225 : vector<16xf32>
        %jit3A_235 = arith.constant 3 : i32
        %broadcast_in_dim3A_236 = vector.broadcast %jit3A_235 : i32 to vector<16xi32>
        %select_n3A_237 = arith.select %gt3A_234, %broadcast_in_dim3A_236, %select_n3A_224 : vector<16xi1>, vector<16xi32>
        %max3A_238 = arith.maximumf %max3A_225, %mul3A_233 : vector<16xf32>
        %get3A_239 = arith.constant 1 : i32
        %get3A_240 = arith.constant 4 : i32
        %get3A_241 = arith.index_cast %get3A_239 : i32 to index
        %get3A_242 = arith.index_cast %get3A_240 : i32 to index
        %get3A_243 = arith.index_cast %mul3A_189 : i32 to index
        %get3A_244 = tpu.vector_load %arg7[%get3A_241, %get3A_242, %get3A_243] {strides = array<i32>} : memref<2x32x640xf32, #tpu.memory_space<vmem>>, vector<1x1x16xf32>,
        %get3A_245 = vector.shape_cast %get3A_244 : vector<1x1x16xf32> to vector<16xf32>
        %mul3A_246 = arith.mulf %get3A_192, %get3A_245 : vector<16xf32>
        %gt3A_247 = arith.cmpf ogt, %mul3A_246, %max3A_238 : vector<16xf32>
        %jit3A_248 = arith.constant 4 : i32
        %broadcast_in_dim3A_249 = vector.broadcast %jit3A_248 : i32 to vector<16xi32>
        %select_n3A_250 = arith.select %gt3A_247, %broadcast_in_dim3A_249, %select_n3A_237 : vector<16xi1>, vector<16xi32>
        %max3A_251 = arith.maximumf %max3A_238, %mul3A_246 : vector<16xf32>
        %get3A_252 = arith.constant 1 : i32
        %get3A_253 = arith.constant 5 : i32
        %get3A_254 = arith.index_cast %get3A_252 : i32 to index
        %get3A_255 = arith.index_cast %get3A_253 : i32 to index
        %get3A_256 = arith.index_cast %mul3A_189 : i32 to index
        %get3A_257 = tpu.vector_load %arg7[%get3A_254, %get3A_255, %get3A_256] {strides = array<i32>} : memref<2x32x640xf32, #tpu.memory_space<vmem>>, vector<1x1x16xf32>,
        %get3A_258 = vector.shape_cast %get3A_257 : vector<1x1x16xf32> to vector<16xf32>
        %mul3A_259 = arith.mulf %get3A_192, %get3A_258 : vector<16xf32>
        %gt3A_260 = arith.cmpf ogt, %mul3A_259, %max3A_251 : vector<16xf32>
        %jit3A_261 = arith.constant 5 : i32
        %broadcast_in_dim3A_262 = vector.broadcast %jit3A_261 : i32 to vector<16xi32>
        %select_n3A_263 = arith.select %gt3A_260, %broadcast_in_dim3A_262, %select_n3A_250 : vector<16xi1>, vector<16xi32>
        %max3A_264 = arith.maximumf %max3A_251, %mul3A_259 : vector<16xf32>
        %get3A_265 = arith.constant 1 : i32
        %get3A_266 = arith.constant 6 : i32
        %get3A_267 = arith.index_cast %get3A_265 : i32 to index
        %get3A_268 = arith.index_cast %get3A_266 : i32 to index
        %get3A_269 = arith.index_cast %mul3A_189 : i32 to index
        %get3A_270 = tpu.vector_load %arg7[%get3A_267, %get3A_268, %get3A_269] {strides = array<i32>} : memref<2x32x640xf32, #tpu.memory_space<vmem>>, vector<1x1x16xf32>,
        %get3A_271 = vector.shape_cast %get3A_270 : vector<1x1x16xf32> to vector<16xf32>
        %mul3A_272 = arith.mulf %get3A_192, %get3A_271 : vector<16xf32>
        %gt3A_273 = arith.cmpf ogt, %mul3A_272, %max3A_264 : vector<16xf32>
        %jit3A_274 = arith.constant 6 : i32
        %broadcast_in_dim3A_275 = vector.broadcast %jit3A_274 : i32 to vector<16xi32>
        %select_n3A_276 = arith.select %gt3A_273, %broadcast_in_dim3A_275, %select_n3A_263 : vector<16xi1>, vector<16xi32>
        %max3A_277 = arith.maximumf %max3A_264, %mul3A_272 : vector<16xf32>
        %get3A_278 = arith.constant 1 : i32
        %get3A_279 = arith.constant 7 : i32
        %get3A_280 = arith.index_cast %get3A_278 : i32 to index
        %get3A_281 = arith.index_cast %get3A_279 : i32 to index
        %get3A_282 = arith.index_cast %mul3A_189 : i32 to index
        %get3A_283 = tpu.vector_load %arg7[%get3A_280, %get3A_281, %get3A_282] {strides = array<i32>} : memref<2x32x640xf32, #tpu.memory_space<vmem>>, vector<1x1x16xf32>,
        %get3A_284 = vector.shape_cast %get3A_283 : vector<1x1x16xf32> to vector<16xf32>
        %mul3A_285 = arith.mulf %get3A_192, %get3A_284 : vector<16xf32>
        %gt3A_286 = arith.cmpf ogt, %mul3A_285, %max3A_277 : vector<16xf32>
        %jit3A_287 = arith.constant 7 : i32
        %broadcast_in_dim3A_288 = vector.broadcast %jit3A_287 : i32 to vector<16xi32>
        %select_n3A_289 = arith.select %gt3A_286, %broadcast_in_dim3A_288, %select_n3A_276 : vector<16xi1>, vector<16xi32>
        %max3A_290 = arith.maximumf %max3A_277, %mul3A_285 : vector<16xf32>
        %get3A_291 = arith.constant 1 : i32
        %get3A_292 = arith.constant 8 : i32
        %get3A_293 = arith.index_cast %get3A_291 : i32 to index
        %get3A_294 = arith.index_cast %get3A_292 : i32 to index
        %get3A_295 = arith.index_cast %mul3A_189 : i32 to index
        %get3A_296 = tpu.vector_load %arg7[%get3A_293, %get3A_294, %get3A_295] {strides = array<i32>} : memref<2x32x640xf32, #tpu.memory_space<vmem>>, vector<1x1x16xf32>,
        %get3A_297 = vector.shape_cast %get3A_296 : vector<1x1x16xf32> to vector<16xf32>
        %mul3A_298 = arith.mulf %get3A_192, %get3A_297 : vector<16xf32>
        %gt3A_299 = arith.cmpf ogt, %mul3A_298, %max3A_290 : vector<16xf32>
        %jit3A_300 = arith.constant 8 : i32
        %broadcast_in_dim3A_301 = vector.broadcast %jit3A_300 : i32 to vector<16xi32>
        %select_n3A_302 = arith.select %gt3A_299, %broadcast_in_dim3A_301, %select_n3A_289 : vector<16xi1>, vector<16xi32>
        %max3A_303 = arith.maximumf %max3A_290, %mul3A_298 : vector<16xf32>
        %get3A_304 = arith.constant 1 : i32
        %get3A_305 = arith.constant 9 : i32
        %get3A_306 = arith.index_cast %get3A_304 : i32 to index
        %get3A_307 = arith.index_cast %get3A_305 : i32 to index
        %get3A_308 = arith.index_cast %mul3A_189 : i32 to index
        %get3A_309 = tpu.vector_load %arg7[%get3A_306, %get3A_307, %get3A_308] {strides = array<i32>} : memref<2x32x640xf32, #tpu.memory_space<vmem>>, vector<1x1x16xf32>,
        %get3A_310 = vector.shape_cast %get3A_309 : vector<1x1x16xf32> to vector<16xf32>
        %mul3A_311 = arith.mulf %get3A_192, %get3A_310 : vector<16xf32>
        %gt3A_312 = arith.cmpf ogt, %mul3A_311, %max3A_303 : vector<16xf32>
        %jit3A_313 = arith.constant 9 : i32
        %broadcast_in_dim3A_314 = vector.broadcast %jit3A_313 : i32 to vector<16xi32>
        %select_n3A_315 = arith.select %gt3A_312, %broadcast_in_dim3A_314, %select_n3A_302 : vector<16xi1>, vector<16xi32>
        %max3A_316 = arith.maximumf %max3A_303, %mul3A_311 : vector<16xf32>
        %get3A_317 = arith.constant 1 : i32
        %get3A_318 = arith.constant 10 : i32
        %get3A_319 = arith.index_cast %get3A_317 : i32 to index
        %get3A_320 = arith.index_cast %get3A_318 : i32 to index
        %get3A_321 = arith.index_cast %mul3A_189 : i32 to index
        %get3A_322 = tpu.vector_load %arg7[%get3A_319, %get3A_320, %get3A_321] {strides = array<i32>} : memref<2x32x640xf32, #tpu.memory_space<vmem>>, vector<1x1x16xf32>,
        %get3A_323 = vector.shape_cast %get3A_322 : vector<1x1x16xf32> to vector<16xf32>
        %mul3A_324 = arith.mulf %get3A_192, %get3A_323 : vector<16xf32>
        %gt3A_325 = arith.cmpf ogt, %mul3A_324, %max3A_316 : vector<16xf32>
        %jit3A_326 = arith.constant 10 : i32
        %broadcast_in_dim3A_327 = vector.broadcast %jit3A_326 : i32 to vector<16xi32>
        %select_n3A_328 = arith.select %gt3A_325, %broadcast_in_dim3A_327, %select_n3A_315 : vector<16xi1>, vector<16xi32>
        %max3A_329 = arith.maximumf %max3A_316, %mul3A_324 : vector<16xf32>
        %get3A_330 = arith.constant 1 : i32
        %get3A_331 = arith.constant 11 : i32
        %get3A_332 = arith.index_cast %get3A_330 : i32 to index
        %get3A_333 = arith.index_cast %get3A_331 : i32 to index
        %get3A_334 = arith.index_cast %mul3A_189 : i32 to index
        %get3A_335 = tpu.vector_load %arg7[%get3A_332, %get3A_333, %get3A_334] {strides = array<i32>} : memref<2x32x640xf32, #tpu.memory_space<vmem>>, vector<1x1x16xf32>,
        %get3A_336 = vector.shape_cast %get3A_335 : vector<1x1x16xf32> to vector<16xf32>
        %mul3A_337 = arith.mulf %get3A_192, %get3A_336 : vector<16xf32>
        %gt3A_338 = arith.cmpf ogt, %mul3A_337, %max3A_329 : vector<16xf32>
        %jit3A_339 = arith.constant 11 : i32
        %broadcast_in_dim3A_340 = vector.broadcast %jit3A_339 : i32 to vector<16xi32>
        %select_n3A_341 = arith.select %gt3A_338, %broadcast_in_dim3A_340, %select_n3A_328 : vector<16xi1>, vector<16xi32>
        %max3A_342 = arith.maximumf %max3A_329, %mul3A_337 : vector<16xf32>
        %get3A_343 = arith.constant 1 : i32
        %get3A_344 = arith.constant 12 : i32
        %get3A_345 = arith.index_cast %get3A_343 : i32 to index
        %get3A_346 = arith.index_cast %get3A_344 : i32 to index
        %get3A_347 = arith.index_cast %mul3A_189 : i32 to index
        %get3A_348 = tpu.vector_load %arg7[%get3A_345, %get3A_346, %get3A_347] {strides = array<i32>} : memref<2x32x640xf32, #tpu.memory_space<vmem>>, vector<1x1x16xf32>,
        %get3A_349 = vector.shape_cast %get3A_348 : vector<1x1x16xf32> to vector<16xf32>
        %mul3A_350 = arith.mulf %get3A_192, %get3A_349 : vector<16xf32>
        %gt3A_351 = arith.cmpf ogt, %mul3A_350, %max3A_342 : vector<16xf32>
        %jit3A_352 = arith.constant 12 : i32
        %broadcast_in_dim3A_353 = vector.broadcast %jit3A_352 : i32 to vector<16xi32>
        %select_n3A_354 = arith.select %gt3A_351, %broadcast_in_dim3A_353, %select_n3A_341 : vector<16xi1>, vector<16xi32>
        %max3A_355 = arith.maximumf %max3A_342, %mul3A_350 : vector<16xf32>
        %get3A_356 = arith.constant 1 : i32
        %get3A_357 = arith.constant 13 : i32
        %get3A_358 = arith.index_cast %get3A_356 : i32 to index
        %get3A_359 = arith.index_cast %get3A_357 : i32 to index
        %get3A_360 = arith.index_cast %mul3A_189 : i32 to index
        %get3A_361 = tpu.vector_load %arg7[%get3A_358, %get3A_359, %get3A_360] {strides = array<i32>} : memref<2x32x640xf32, #tpu.memory_space<vmem>>, vector<1x1x16xf32>,
        %get3A_362 = vector.shape_cast %get3A_361 : vector<1x1x16xf32> to vector<16xf32>
        %mul3A_363 = arith.mulf %get3A_192, %get3A_362 : vector<16xf32>
        %gt3A_364 = arith.cmpf ogt, %mul3A_363, %max3A_355 : vector<16xf32>
        %jit3A_365 = arith.constant 13 : i32
        %broadcast_in_dim3A_366 = vector.broadcast %jit3A_365 : i32 to vector<16xi32>
        %select_n3A_367 = arith.select %gt3A_364, %broadcast_in_dim3A_366, %select_n3A_354 : vector<16xi1>, vector<16xi32>
        %max3A_368 = arith.maximumf %max3A_355, %mul3A_363 : vector<16xf32>
        %get3A_369 = arith.constant 1 : i32
        %get3A_370 = arith.constant 14 : i32
        %get3A_371 = arith.index_cast %get3A_369 : i32 to index
        %get3A_372 = arith.index_cast %get3A_370 : i32 to index
        %get3A_373 = arith.index_cast %mul3A_189 : i32 to index
        %get3A_374 = tpu.vector_load %arg7[%get3A_371, %get3A_372, %get3A_373] {strides = array<i32>} : memref<2x32x640xf32, #tpu.memory_space<vmem>>, vector<1x1x16xf32>,
        %get3A_375 = vector.shape_cast %get3A_374 : vector<1x1x16xf32> to vector<16xf32>
        %mul3A_376 = arith.mulf %get3A_192, %get3A_375 : vector<16xf32>
        %gt3A_377 = arith.cmpf ogt, %mul3A_376, %max3A_368 : vector<16xf32>
        %jit3A_378 = arith.constant 14 : i32
        %broadcast_in_dim3A_379 = vector.broadcast %jit3A_378 : i32 to vector<16xi32>
        %select_n3A_380 = arith.select %gt3A_377, %broadcast_in_dim3A_379, %select_n3A_367 : vector<16xi1>, vector<16xi32>
        %max3A_381 = arith.maximumf %max3A_368, %mul3A_376 : vector<16xf32>
        %get3A_382 = arith.constant 1 : i32
        %get3A_383 = arith.constant 15 : i32
        %get3A_384 = arith.index_cast %get3A_382 : i32 to index
        %get3A_385 = arith.index_cast %get3A_383 : i32 to index
        %get3A_386 = arith.index_cast %mul3A_189 : i32 to index
        %get3A_387 = tpu.vector_load %arg7[%get3A_384, %get3A_385, %get3A_386] {strides = array<i32>} : memref<2x32x640xf32, #tpu.memory_space<vmem>>, vector<1x1x16xf32>,
        %get3A_388 = vector.shape_cast %get3A_387 : vector<1x1x16xf32> to vector<16xf32>
        %mul3A_389 = arith.mulf %get3A_192, %get3A_388 : vector<16xf32>
        %gt3A_390 = arith.cmpf ogt, %mul3A_389, %max3A_381 : vector<16xf32>
        %jit3A_391 = arith.constant 15 : i32
        %broadcast_in_dim3A_392 = vector.broadcast %jit3A_391 : i32 to vector<16xi32>
        %select_n3A_393 = arith.select %gt3A_390, %broadcast_in_dim3A_392, %select_n3A_380 : vector<16xi1>, vector<16xi32>
        %max3A_394 = arith.maximumf %max3A_381, %mul3A_389 : vector<16xf32>
        %get3A_395 = arith.constant 1 : i32
        %get3A_396 = arith.constant 16 : i32
        %get3A_397 = arith.index_cast %get3A_395 : i32 to index
        %get3A_398 = arith.index_cast %get3A_396 : i32 to index
        %get3A_399 = arith.index_cast %mul3A_189 : i32 to index
        %get3A_400 = tpu.vector_load %arg7[%get3A_397, %get3A_398, %get3A_399] {strides = array<i32>} : memref<2x32x640xf32, #tpu.memory_space<vmem>>, vector<1x1x16xf32>,
        %get3A_401 = vector.shape_cast %get3A_400 : vector<1x1x16xf32> to vector<16xf32>
        %mul3A_402 = arith.mulf %get3A_192, %get3A_401 : vector<16xf32>
        %gt3A_403 = arith.cmpf ogt, %mul3A_402, %max3A_394 : vector<16xf32>
        %jit3A_404 = arith.constant 16 : i32
        %broadcast_in_dim3A_405 = vector.broadcast %jit3A_404 : i32 to vector<16xi32>
        %select_n3A_406 = arith.select %gt3A_403, %broadcast_in_dim3A_405, %select_n3A_393 : vector<16xi1>, vector<16xi32>
        %max3A_407 = arith.maximumf %max3A_394, %mul3A_402 : vector<16xf32>
        %get3A_408 = arith.constant 1 : i32
        %get3A_409 = arith.constant 17 : i32
        %get3A_410 = arith.index_cast %get3A_408 : i32 to index
        %get3A_411 = arith.index_cast %get3A_409 : i32 to index
        %get3A_412 = arith.index_cast %mul3A_189 : i32 to index
        %get3A_413 = tpu.vector_load %arg7[%get3A_410, %get3A_411, %get3A_412] {strides = array<i32>} : memref<2x32x640xf32, #tpu.memory_space<vmem>>, vector<1x1x16xf32>,
        %get3A_414 = vector.shape_cast %get3A_413 : vector<1x1x16xf32> to vector<16xf32>
        %mul3A_415 = arith.mulf %get3A_192, %get3A_414 : vector<16xf32>
        %gt3A_416 = arith.cmpf ogt, %mul3A_415, %max3A_407 : vector<16xf32>
        %jit3A_417 = arith.constant 17 : i32
        %broadcast_in_dim3A_418 = vector.broadcast %jit3A_417 : i32 to vector<16xi32>
        %select_n3A_419 = arith.select %gt3A_416, %broadcast_in_dim3A_418, %select_n3A_406 : vector<16xi1>, vector<16xi32>
        %max3A_420 = arith.maximumf %max3A_407, %mul3A_415 : vector<16xf32>
        %get3A_421 = arith.constant 1 : i32
        %get3A_422 = arith.constant 18 : i32
        %get3A_423 = arith.index_cast %get3A_421 : i32 to index
        %get3A_424 = arith.index_cast %get3A_422 : i32 to index
        %get3A_425 = arith.index_cast %mul3A_189 : i32 to index
        %get3A_426 = tpu.vector_load %arg7[%get3A_423, %get3A_424, %get3A_425] {strides = array<i32>} : memref<2x32x640xf32, #tpu.memory_space<vmem>>, vector<1x1x16xf32>,
        %get3A_427 = vector.shape_cast %get3A_426 : vector<1x1x16xf32> to vector<16xf32>
        %mul3A_428 = arith.mulf %get3A_192, %get3A_427 : vector<16xf32>
        %gt3A_429 = arith.cmpf ogt, %mul3A_428, %max3A_420 : vector<16xf32>
        %jit3A_430 = arith.constant 18 : i32
        %broadcast_in_dim3A_431 = vector.broadcast %jit3A_430 : i32 to vector<16xi32>
        %select_n3A_432 = arith.select %gt3A_429, %broadcast_in_dim3A_431, %select_n3A_419 : vector<16xi1>, vector<16xi32>
        %max3A_433 = arith.maximumf %max3A_420, %mul3A_428 : vector<16xf32>
        %get3A_434 = arith.constant 1 : i32
        %get3A_435 = arith.constant 19 : i32
        %get3A_436 = arith.index_cast %get3A_434 : i32 to index
        %get3A_437 = arith.index_cast %get3A_435 : i32 to index
        %get3A_438 = arith.index_cast %mul3A_189 : i32 to index
        %get3A_439 = tpu.vector_load %arg7[%get3A_436, %get3A_437, %get3A_438] {strides = array<i32>} : memref<2x32x640xf32, #tpu.memory_space<vmem>>, vector<1x1x16xf32>,
        %get3A_440 = vector.shape_cast %get3A_439 : vector<1x1x16xf32> to vector<16xf32>
        %mul3A_441 = arith.mulf %get3A_192, %get3A_440 : vector<16xf32>
        %gt3A_442 = arith.cmpf ogt, %mul3A_441, %max3A_433 : vector<16xf32>
        %jit3A_443 = arith.constant 19 : i32
        %broadcast_in_dim3A_444 = vector.broadcast %jit3A_443 : i32 to vector<16xi32>
        %select_n3A_445 = arith.select %gt3A_442, %broadcast_in_dim3A_444, %select_n3A_432 : vector<16xi1>, vector<16xi32>
        %max3A_446 = arith.maximumf %max3A_433, %mul3A_441 : vector<16xf32>
        %get3A_447 = arith.constant 1 : i32
        %get3A_448 = arith.constant 20 : i32
        %get3A_449 = arith.index_cast %get3A_447 : i32 to index
        %get3A_450 = arith.index_cast %get3A_448 : i32 to index
        %get3A_451 = arith.index_cast %mul3A_189 : i32 to index
        %get3A_452 = tpu.vector_load %arg7[%get3A_449, %get3A_450, %get3A_451] {strides = array<i32>} : memref<2x32x640xf32, #tpu.memory_space<vmem>>, vector<1x1x16xf32>,
        %get3A_453 = vector.shape_cast %get3A_452 : vector<1x1x16xf32> to vector<16xf32>
        %mul3A_454 = arith.mulf %get3A_192, %get3A_453 : vector<16xf32>
        %gt3A_455 = arith.cmpf ogt, %mul3A_454, %max3A_446 : vector<16xf32>
        %jit3A_456 = arith.constant 20 : i32
        %broadcast_in_dim3A_457 = vector.broadcast %jit3A_456 : i32 to vector<16xi32>
        %select_n3A_458 = arith.select %gt3A_455, %broadcast_in_dim3A_457, %select_n3A_445 : vector<16xi1>, vector<16xi32>
        %max3A_459 = arith.maximumf %max3A_446, %mul3A_454 : vector<16xf32>
        %get3A_460 = arith.constant 1 : i32
        %get3A_461 = arith.constant 21 : i32
        %get3A_462 = arith.index_cast %get3A_460 : i32 to index
        %get3A_463 = arith.index_cast %get3A_461 : i32 to index
        %get3A_464 = arith.index_cast %mul3A_189 : i32 to index
        %get3A_465 = tpu.vector_load %arg7[%get3A_462, %get3A_463, %get3A_464] {strides = array<i32>} : memref<2x32x640xf32, #tpu.memory_space<vmem>>, vector<1x1x16xf32>,
        %get3A_466 = vector.shape_cast %get3A_465 : vector<1x1x16xf32> to vector<16xf32>
        %mul3A_467 = arith.mulf %get3A_192, %get3A_466 : vector<16xf32>
        %gt3A_468 = arith.cmpf ogt, %mul3A_467, %max3A_459 : vector<16xf32>
        %jit3A_469 = arith.constant 21 : i32
        %broadcast_in_dim3A_470 = vector.broadcast %jit3A_469 : i32 to vector<16xi32>
        %select_n3A_471 = arith.select %gt3A_468, %broadcast_in_dim3A_470, %select_n3A_458 : vector<16xi1>, vector<16xi32>
        %max3A_472 = arith.maximumf %max3A_459, %mul3A_467 : vector<16xf32>
        %get3A_473 = arith.constant 1 : i32
        %get3A_474 = arith.constant 22 : i32
        %get3A_475 = arith.index_cast %get3A_473 : i32 to index
        %get3A_476 = arith.index_cast %get3A_474 : i32 to index
        %get3A_477 = arith.index_cast %mul3A_189 : i32 to index
        %get3A_478 = tpu.vector_load %arg7[%get3A_475, %get3A_476, %get3A_477] {strides = array<i32>} : memref<2x32x640xf32, #tpu.memory_space<vmem>>, vector<1x1x16xf32>,
        %get3A_479 = vector.shape_cast %get3A_478 : vector<1x1x16xf32> to vector<16xf32>
        %mul3A_480 = arith.mulf %get3A_192, %get3A_479 : vector<16xf32>
        %gt3A_481 = arith.cmpf ogt, %mul3A_480, %max3A_472 : vector<16xf32>
        %jit3A_482 = arith.constant 22 : i32
        %broadcast_in_dim3A_483 = vector.broadcast %jit3A_482 : i32 to vector<16xi32>
        %select_n3A_484 = arith.select %gt3A_481, %broadcast_in_dim3A_483, %select_n3A_471 : vector<16xi1>, vector<16xi32>
        %max3A_485 = arith.maximumf %max3A_472, %mul3A_480 : vector<16xf32>
        %get3A_486 = arith.constant 1 : i32
        %get3A_487 = arith.constant 23 : i32
        %get3A_488 = arith.index_cast %get3A_486 : i32 to index
        %get3A_489 = arith.index_cast %get3A_487 : i32 to index
        %get3A_490 = arith.index_cast %mul3A_189 : i32 to index
        %get3A_491 = tpu.vector_load %arg7[%get3A_488, %get3A_489, %get3A_490] {strides = array<i32>} : memref<2x32x640xf32, #tpu.memory_space<vmem>>, vector<1x1x16xf32>,
        %get3A_492 = vector.shape_cast %get3A_491 : vector<1x1x16xf32> to vector<16xf32>
        %mul3A_493 = arith.mulf %get3A_192, %get3A_492 : vector<16xf32>
        %gt3A_494 = arith.cmpf ogt, %mul3A_493, %max3A_485 : vector<16xf32>
        %jit3A_495 = arith.constant 23 : i32
        %broadcast_in_dim3A_496 = vector.broadcast %jit3A_495 : i32 to vector<16xi32>
        %select_n3A_497 = arith.select %gt3A_494, %broadcast_in_dim3A_496, %select_n3A_484 : vector<16xi1>, vector<16xi32>
        %max3A_498 = arith.maximumf %max3A_485, %mul3A_493 : vector<16xf32>
        %get3A_499 = arith.constant 1 : i32
        %get3A_500 = arith.constant 24 : i32
        %get3A_501 = arith.index_cast %get3A_499 : i32 to index
        %get3A_502 = arith.index_cast %get3A_500 : i32 to index
        %get3A_503 = arith.index_cast %mul3A_189 : i32 to index
        %get3A_504 = tpu.vector_load %arg7[%get3A_501, %get3A_502, %get3A_503] {strides = array<i32>} : memref<2x32x640xf32, #tpu.memory_space<vmem>>, vector<1x1x16xf32>,
        %get3A_505 = vector.shape_cast %get3A_504 : vector<1x1x16xf32> to vector<16xf32>
        %mul3A_506 = arith.mulf %get3A_192, %get3A_505 : vector<16xf32>
        %gt3A_507 = arith.cmpf ogt, %mul3A_506, %max3A_498 : vector<16xf32>
        %jit3A_508 = arith.constant 24 : i32
        %broadcast_in_dim3A_509 = vector.broadcast %jit3A_508 : i32 to vector<16xi32>
        %select_n3A_510 = arith.select %gt3A_507, %broadcast_in_dim3A_509, %select_n3A_497 : vector<16xi1>, vector<16xi32>
        %max3A_511 = arith.maximumf %max3A_498, %mul3A_506 : vector<16xf32>
        %get3A_512 = arith.constant 1 : i32
        %get3A_513 = arith.constant 25 : i32
        %get3A_514 = arith.index_cast %get3A_512 : i32 to index
        %get3A_515 = arith.index_cast %get3A_513 : i32 to index
        %get3A_516 = arith.index_cast %mul3A_189 : i32 to index
        %get3A_517 = tpu.vector_load %arg7[%get3A_514, %get3A_515, %get3A_516] {strides = array<i32>} : memref<2x32x640xf32, #tpu.memory_space<vmem>>, vector<1x1x16xf32>,
        %get3A_518 = vector.shape_cast %get3A_517 : vector<1x1x16xf32> to vector<16xf32>
        %mul3A_519 = arith.mulf %get3A_192, %get3A_518 : vector<16xf32>
        %gt3A_520 = arith.cmpf ogt, %mul3A_519, %max3A_511 : vector<16xf32>
        %jit3A_521 = arith.constant 25 : i32
        %broadcast_in_dim3A_522 = vector.broadcast %jit3A_521 : i32 to vector<16xi32>
        %select_n3A_523 = arith.select %gt3A_520, %broadcast_in_dim3A_522, %select_n3A_510 : vector<16xi1>, vector<16xi32>
        %max3A_524 = arith.maximumf %max3A_511, %mul3A_519 : vector<16xf32>
        %get3A_525 = arith.constant 1 : i32
        %get3A_526 = arith.constant 26 : i32
        %get3A_527 = arith.index_cast %get3A_525 : i32 to index
        %get3A_528 = arith.index_cast %get3A_526 : i32 to index
        %get3A_529 = arith.index_cast %mul3A_189 : i32 to index
        %get3A_530 = tpu.vector_load %arg7[%get3A_527, %get3A_528, %get3A_529] {strides = array<i32>} : memref<2x32x640xf32, #tpu.memory_space<vmem>>, vector<1x1x16xf32>,
        %get3A_531 = vector.shape_cast %get3A_530 : vector<1x1x16xf32> to vector<16xf32>
        %mul3A_532 = arith.mulf %get3A_192, %get3A_531 : vector<16xf32>
        %gt3A_533 = arith.cmpf ogt, %mul3A_532, %max3A_524 : vector<16xf32>
        %jit3A_534 = arith.constant 26 : i32
        %broadcast_in_dim3A_535 = vector.broadcast %jit3A_534 : i32 to vector<16xi32>
        %select_n3A_536 = arith.select %gt3A_533, %broadcast_in_dim3A_535, %select_n3A_523 : vector<16xi1>, vector<16xi32>
        %max3A_537 = arith.maximumf %max3A_524, %mul3A_532 : vector<16xf32>
        %get3A_538 = arith.constant 1 : i32
        %get3A_539 = arith.constant 27 : i32
        %get3A_540 = arith.index_cast %get3A_538 : i32 to index
        %get3A_541 = arith.index_cast %get3A_539 : i32 to index
        %get3A_542 = arith.index_cast %mul3A_189 : i32 to index
        %get3A_543 = tpu.vector_load %arg7[%get3A_540, %get3A_541, %get3A_542] {strides = array<i32>} : memref<2x32x640xf32, #tpu.memory_space<vmem>>, vector<1x1x16xf32>,
        %get3A_544 = vector.shape_cast %get3A_543 : vector<1x1x16xf32> to vector<16xf32>
        %mul3A_545 = arith.mulf %get3A_192, %get3A_544 : vector<16xf32>
        %gt3A_546 = arith.cmpf ogt, %mul3A_545, %max3A_537 : vector<16xf32>
        %jit3A_547 = arith.constant 27 : i32
        %broadcast_in_dim3A_548 = vector.broadcast %jit3A_547 : i32 to vector<16xi32>
        %select_n3A_549 = arith.select %gt3A_546, %broadcast_in_dim3A_548, %select_n3A_536 : vector<16xi1>, vector<16xi32>
        %max3A_550 = arith.maximumf %max3A_537, %mul3A_545 : vector<16xf32>
        %get3A_551 = arith.constant 1 : i32
        %get3A_552 = arith.constant 28 : i32
        %get3A_553 = arith.index_cast %get3A_551 : i32 to index
        %get3A_554 = arith.index_cast %get3A_552 : i32 to index
        %get3A_555 = arith.index_cast %mul3A_189 : i32 to index
        %get3A_556 = tpu.vector_load %arg7[%get3A_553, %get3A_554, %get3A_555] {strides = array<i32>} : memref<2x32x640xf32, #tpu.memory_space<vmem>>, vector<1x1x16xf32>,
        %get3A_557 = vector.shape_cast %get3A_556 : vector<1x1x16xf32> to vector<16xf32>
        %mul3A_558 = arith.mulf %get3A_192, %get3A_557 : vector<16xf32>
        %gt3A_559 = arith.cmpf ogt, %mul3A_558, %max3A_550 : vector<16xf32>
        %jit3A_560 = arith.constant 28 : i32
        %broadcast_in_dim3A_561 = vector.broadcast %jit3A_560 : i32 to vector<16xi32>
        %select_n3A_562 = arith.select %gt3A_559, %broadcast_in_dim3A_561, %select_n3A_549 : vector<16xi1>, vector<16xi32>
        %max3A_563 = arith.maximumf %max3A_550, %mul3A_558 : vector<16xf32>
        %get3A_564 = arith.constant 1 : i32
        %get3A_565 = arith.constant 29 : i32
        %get3A_566 = arith.index_cast %get3A_564 : i32 to index
        %get3A_567 = arith.index_cast %get3A_565 : i32 to index
        %get3A_568 = arith.index_cast %mul3A_189 : i32 to index
        %get3A_569 = tpu.vector_load %arg7[%get3A_566, %get3A_567, %get3A_568] {strides = array<i32>} : memref<2x32x640xf32, #tpu.memory_space<vmem>>, vector<1x1x16xf32>,
        %get3A_570 = vector.shape_cast %get3A_569 : vector<1x1x16xf32> to vector<16xf32>
        %mul3A_571 = arith.mulf %get3A_192, %get3A_570 : vector<16xf32>
        %gt3A_572 = arith.cmpf ogt, %mul3A_571, %max3A_563 : vector<16xf32>
        %jit3A_573 = arith.constant 29 : i32
        %broadcast_in_dim3A_574 = vector.broadcast %jit3A_573 : i32 to vector<16xi32>
        %select_n3A_575 = arith.select %gt3A_572, %broadcast_in_dim3A_574, %select_n3A_562 : vector<16xi1>, vector<16xi32>
        %max3A_576 = arith.maximumf %max3A_563, %mul3A_571 : vector<16xf32>
        %get3A_577 = arith.constant 1 : i32
        %get3A_578 = arith.constant 30 : i32
        %get3A_579 = arith.index_cast %get3A_577 : i32 to index
        %get3A_580 = arith.index_cast %get3A_578 : i32 to index
        %get3A_581 = arith.index_cast %mul3A_189 : i32 to index
        %get3A_582 = tpu.vector_load %arg7[%get3A_579, %get3A_580, %get3A_581] {strides = array<i32>} : memref<2x32x640xf32, #tpu.memory_space<vmem>>, vector<1x1x16xf32>,
        %get3A_583 = vector.shape_cast %get3A_582 : vector<1x1x16xf32> to vector<16xf32>
        %mul3A_584 = arith.mulf %get3A_192, %get3A_583 : vector<16xf32>
        %gt3A_585 = arith.cmpf ogt, %mul3A_584, %max3A_576 : vector<16xf32>
        %jit3A_586 = arith.constant 30 : i32
        %broadcast_in_dim3A_587 = vector.broadcast %jit3A_586 : i32 to vector<16xi32>
        %select_n3A_588 = arith.select %gt3A_585, %broadcast_in_dim3A_587, %select_n3A_575 : vector<16xi1>, vector<16xi32>
        %max3A_589 = arith.maximumf %max3A_576, %mul3A_584 : vector<16xf32>
        %get3A_590 = arith.constant 1 : i32
        %get3A_591 = arith.constant 31 : i32
        %get3A_592 = arith.index_cast %get3A_590 : i32 to index
        %get3A_593 = arith.index_cast %get3A_591 : i32 to index
        %get3A_594 = arith.index_cast %mul3A_189 : i32 to index
        %get3A_595 = tpu.vector_load %arg7[%get3A_592, %get3A_593, %get3A_594] {strides = array<i32>} : memref<2x32x640xf32, #tpu.memory_space<vmem>>, vector<1x1x16xf32>,
        %get3A_596 = vector.shape_cast %get3A_595 : vector<1x1x16xf32> to vector<16xf32>
        %mul3A_597 = arith.mulf %get3A_192, %get3A_596 : vector<16xf32>
        %gt3A_598 = arith.cmpf ogt, %mul3A_597, %max3A_589 : vector<16xf32>
        %jit3A_599 = arith.constant 31 : i32
        %broadcast_in_dim3A_600 = vector.broadcast %jit3A_599 : i32 to vector<16xi32>
        %select_n3A_601 = arith.select %gt3A_598, %broadcast_in_dim3A_600, %select_n3A_588 : vector<16xi1>, vector<16xi32>
        %max3A_602 = arith.maximumf %max3A_589, %mul3A_597 : vector<16xf32>
        %swap3A = arith.index_cast %select_n3A_174 : i32 to index
        %swap3A_603 = arith.index_cast %sub3A_177 : i32 to index
        %swap3A_604 = arith.index_cast %mul3A_189 : i32 to index
        %swap3A_605 = tpu.vector_load %arg8[%swap3A, %swap3A_603, %swap3A_604] {strides = array<i32>} : memref<4x3x640xf32, #tpu.memory_space<vmem>>, vector<1x1x16xf32>,
        %swap3A_606 = vector.shape_cast %swap3A_605 : vector<1x1x16xf32> to vector<16xf32>
        %swap3A_607 = vector.shape_cast %max3A_602 : vector<16xf32> to vector<1x1x16xf32>
        tpu.vector_store %arg8[%swap3A, %swap3A_603, %swap3A_604], %swap3A_607 {strides = array<i32>} : memref<4x3x640xf32, #tpu.memory_space<vmem>>, vector<1x1x16xf32>,
        %swap3A_608 = arith.index_cast %select_n3A_174 : i32 to index
        %swap3A_609 = arith.index_cast %sub3A_177 : i32 to index
        %swap3A_610 = arith.index_cast %mul3A_189 : i32 to index
        %swap3A_611 = tpu.vector_load %arg9[%swap3A_608, %swap3A_609, %swap3A_610] {strides = array<i32>} : memref<4x3x640xi32, #tpu.memory_space<vmem>>, vector<1x1x16xi32>,
        %swap3A_612 = vector.shape_cast %swap3A_611 : vector<1x1x16xi32> to vector<16xi32>
        %swap3A_613 = vector.shape_cast %select_n3A_601 : vector<16xi32> to vector<1x1x16xi32>
        tpu.vector_store %arg9[%swap3A_608, %swap3A_609, %swap3A_610], %swap3A_613 {strides = array<i32>} : memref<4x3x640xi32, #tpu.memory_space<vmem>>, vector<1x1x16xi32>,
      }
      %scan3A_182 = arith.constant 40 : i32
    }
    %scan3A_18 = arith.constant 6 : i32
    %dma_wait3A = arith.constant 0 : i32
    %dma_wait3A_19 = arith.constant 0 : i32
    %dma_wait3A_20 = arith.constant 0 : i32
    %dma_wait3A_21 = tpu.memref_slice %arg7[%dma_wait3A, %dma_wait3A_19, %dma_wait3A_20] : memref<2x32x640xf32, #tpu.memory_space<vmem>> -> memref<1x32x640xf32, #tpu.memory_space<vmem>>
    %dma_wait3A_22 = tpu.memref_squeeze %dma_wait3A_21 : memref<1x32x640xf32, #tpu.memory_space<vmem>> -> memref<32x640xf32, #tpu.memory_space<vmem>>
    %dma_wait3A_23 = arith.constant 352 : i32
    %dma_wait3A_24 = tpu.memref_slice %arg3[%dma_wait3A_23, %mul3A_2] : memref<384x32768xf32, #tpu.memory_space<hbm>> -> memref<32x640xf32, #tpu.memory_space<hbm>>
    %dma_wait3A_25 = arith.constant 0 : i32
    %dma_wait3A_26 = arith.constant 0 : i32
    %dma_wait3A_27 = tpu.memref_slice %arg7[%dma_wait3A, %dma_wait3A_25, %dma_wait3A_26] : memref<2x32x640xf32, #tpu.memory_space<vmem>> -> memref<1x32x640xf32, #tpu.memory_space<vmem>>
    %dma_wait3A_28 = tpu.memref_squeeze %dma_wait3A_27 : memref<1x32x640xf32, #tpu.memory_space<vmem>> -> memref<32x640xf32, #tpu.memory_space<vmem>>
    %dma_wait3A_29 = arith.constant 352 : i32
    %dma_wait3A_30 = tpu.memref_slice %arg3[%dma_wait3A_29, %mul3A_2] : memref<384x32768xf32, #tpu.memory_space<hbm>> -> memref<32x640xf32, #tpu.memory_space<hbm>>
    tpu.wait_dma2 semaphore(%arg10 : memref<!tpu.dma_semaphore, #tpu.memory_space<semaphore_mem>>) src(%dma_wait3A_30 : memref<32x640xf32, #tpu.memory_space<hbm>>) dst(%dma_wait3A_28 : memref<32x640xf32, #tpu.memory_space<vmem>>)
    %dma_start3A_31 = arith.constant 0 : i32
    %dma_start3A_32 = arith.constant 0 : i32
    %dma_start3A_33 = tpu.memref_slice %arg4[%dma_start3A_31, %dma_start3A_32, %mul3A_2] : memref<4x3x20480xf32, #tpu.memory_space<hbm>> -> memref<4x3x640xf32, #tpu.memory_space<hbm>>
    %dma_start3A_34 = arith.constant 0 : i32
    %dma_start3A_35 = arith.constant 0 : i32
    %dma_start3A_36 = tpu.memref_slice %arg4[%dma_start3A_34, %dma_start3A_35, %mul3A_2] : memref<4x3x20480xf32, #tpu.memory_space<hbm>> -> memref<4x3x640xf32, #tpu.memory_space<hbm>>
    tpu.enqueue_dma source(%arg8 : memref<4x3x640xf32, #tpu.memory_space<vmem>>) target(%dma_start3A_36 : memref<4x3x640xf32, #tpu.memory_space<hbm>>) target_semaphore(%arg10 : memref<!tpu.dma_semaphore, #tpu.memory_space<semaphore_mem>>)
    %dma_start3A_37 = arith.constant 0 : i32
    %dma_start3A_38 = arith.constant 0 : i32
    %dma_start3A_39 = tpu.memref_slice %arg5[%dma_start3A_37, %dma_start3A_38, %mul3A_2] : memref<4x3x20480xi32, #tpu.memory_space<hbm>> -> memref<4x3x640xi32, #tpu.memory_space<hbm>>
    %dma_start3A_40 = arith.constant 0 : i32
    %dma_start3A_41 = arith.constant 0 : i32
    %dma_start3A_42 = tpu.memref_slice %arg5[%dma_start3A_40, %dma_start3A_41, %mul3A_2] : memref<4x3x20480xi32, #tpu.memory_space<hbm>> -> memref<4x3x640xi32, #tpu.memory_space<hbm>>
    tpu.enqueue_dma source(%arg9 : memref<4x3x640xi32, #tpu.memory_space<vmem>>) target(%dma_start3A_42 : memref<4x3x640xi32, #tpu.memory_space<hbm>>) target_semaphore(%arg11 : memref<!tpu.dma_semaphore, #tpu.memory_space<semaphore_mem>>)
    %dma_wait3A_43 = arith.constant 0 : i32
    %dma_wait3A_44 = arith.constant 0 : i32
    %dma_wait3A_45 = tpu.memref_slice %arg4[%dma_wait3A_43, %dma_wait3A_44, %mul3A_2] : memref<4x3x20480xf32, #tpu.memory_space<hbm>> -> memref<4x3x640xf32, #tpu.memory_space<hbm>>
    %dma_wait3A_46 = arith.constant 0 : i32
    %dma_wait3A_47 = arith.constant 0 : i32
    %dma_wait3A_48 = tpu.memref_slice %arg4[%dma_wait3A_46, %dma_wait3A_47, %mul3A_2] : memref<4x3x20480xf32, #tpu.memory_space<hbm>> -> memref<4x3x640xf32, #tpu.memory_space<hbm>>
    tpu.wait_dma2 semaphore(%arg10 : memref<!tpu.dma_semaphore, #tpu.memory_space<semaphore_mem>>) src(%arg8 : memref<4x3x640xf32, #tpu.memory_space<vmem>>) dst(%dma_wait3A_48 : memref<4x3x640xf32, #tpu.memory_space<hbm>>)
    %dma_wait3A_49 = arith.constant 0 : i32
    %dma_wait3A_50 = arith.constant 0 : i32
    %dma_wait3A_51 = tpu.memref_slice %arg5[%dma_wait3A_49, %dma_wait3A_50, %mul3A_2] : memref<4x3x20480xi32, #tpu.memory_space<hbm>> -> memref<4x3x640xi32, #tpu.memory_space<hbm>>
    %dma_wait3A_52 = arith.constant 0 : i32
    %dma_wait3A_53 = arith.constant 0 : i32
    %dma_wait3A_54 = tpu.memref_slice %arg5[%dma_wait3A_52, %dma_wait3A_53, %mul3A_2] : memref<4x3x20480xi32, #tpu.memory_space<hbm>> -> memref<4x3x640xi32, #tpu.memory_space<hbm>>
    tpu.wait_dma2 semaphore(%arg11 : memref<!tpu.dma_semaphore, #tpu.memory_space<semaphore_mem>>) src(%arg9 : memref<4x3x640xi32, #tpu.memory_space<vmem>>) dst(%dma_wait3A_54 : memref<4x3x640xi32, #tpu.memory_space<hbm>>)
    return
  }
}

module attributes {stable_mosaic.version = 14 : i64} {
  func.func @_tc_body(%arg0: i32, %arg1: i32, %arg2: memref<4x2048xf32, #tpu.memory_space<vmem>>, %arg3: memref<1x3x32x2048xf32, #tpu.memory_space<vmem>>, %arg4: memref<1x3x2048xf32, #tpu.memory_space<vmem>>, %arg5: memref<1x3x2048xi32, #tpu.memory_space<vmem>>) attributes {dimension_semantics = [#tpu.dimension_semantics<arbitrary>, #tpu.dimension_semantics<arbitrary>], iteration_bounds = array<i64: 4, 6>, scalar_prefetch = 0 : i64, scratch_operands = 0 : i64, tpu.core_type = #tpu.core_type<tc>, window_params = [{transform_indices = @transform_0, window_bounds = array<i64: 4, 2048>}, {transform_indices = @transform_1, window_bounds = array<i64: 1, 3, 32, 2048>}, {transform_indices = @transform_2, window_bounds = array<i64: 1, 3, 2048>}, {transform_indices = @transform_3, window_bounds = array<i64: 1, 3, 2048>}]} {
    %get3A = arith.constant 0 : index
    %get3A_0 = arith.constant 0 : index
    %get3A_1 = vector.load %arg2[%get3A, %get3A_0] : memref<4x2048xf32, #tpu.memory_space<vmem>>, vector<4x2048xf32>
    %slice3A = vector.extract_strided_slice %get3A_1 {offsets = [0, 0], sizes = [1, 2048], strides = [1, 1]} : vector<4x2048xf32> to vector<1x2048xf32>
    %eq3A = arith.constant 1 : i32
    %eq3A_2 = arith.cmpi eq, %arg0, %eq3A : i32
    %slice3A_3 = vector.extract_strided_slice %get3A_1 {offsets = [1, 0], sizes = [1, 2048], strides = [1, 1]} : vector<4x2048xf32> to vector<1x2048xf32>
    %select_n3A = arith.select %eq3A_2, %slice3A_3, %slice3A : vector<1x2048xf32>
    %eq3A_4 = arith.constant 2 : i32
    %eq3A_5 = arith.cmpi eq, %arg0, %eq3A_4 : i32
    %slice3A_6 = vector.extract_strided_slice %get3A_1 {offsets = [2, 0], sizes = [1, 2048], strides = [1, 1]} : vector<4x2048xf32> to vector<1x2048xf32>
    %select_n3A_7 = arith.select %eq3A_5, %slice3A_6, %select_n3A : vector<1x2048xf32>
    %eq3A_8 = arith.constant 3 : i32
    %eq3A_9 = arith.cmpi eq, %arg0, %eq3A_8 : i32
    %slice3A_10 = vector.extract_strided_slice %get3A_1 {offsets = [3, 0], sizes = [1, 2048], strides = [1, 1]} : vector<4x2048xf32> to vector<1x2048xf32>
    %select_n3A_11 = arith.select %eq3A_9, %slice3A_10, %select_n3A_7 : vector<1x2048xf32>
    %get3A_12 = arith.constant 0 : index
    %get3A_13 = arith.constant 0 : index
    %get3A_14 = arith.constant 0 : index
    %get3A_15 = arith.constant 0 : index
    %get3A_16 = vector.load %arg3[%get3A_12, %get3A_13, %get3A_14, %get3A_15] : memref<1x3x32x2048xf32, #tpu.memory_space<vmem>>, vector<1x1x32x2048xf32>
    %get3A_17 = vector.shape_cast %get3A_16 : vector<1x1x32x2048xf32> to vector<32x2048xf32>
    %mul3A = vector.broadcast %select_n3A_11 : vector<1x2048xf32> to vector<32x2048xf32>
    %mul3A_18 = arith.mulf %mul3A, %get3A_17 : vector<32x2048xf32>
    %reduce_max3A = arith.constant dense<0xFF800000> : vector<2048xf32>
    %reduce_max3A_19 = vector.multi_reduction <maximumf>, %mul3A_18, %reduce_max3A [0] : vector<32x2048xf32> to vector<2048xf32>
    %broadcast_in_dim3A = vector.shape_cast %reduce_max3A_19 : vector<2048xf32> to vector<1x2048xf32>
    %iota3A = tpu.iota {dimensions = array<i32: 0>} : vector<32x2048xi32>
    %eq3A_20 = vector.broadcast %broadcast_in_dim3A : vector<1x2048xf32> to vector<32x2048xf32>
    %eq3A_21 = arith.cmpf oeq, %mul3A_18, %eq3A_20 : vector<32x2048xf32>
    %jit3A = arith.constant 32 : i32
    %broadcast_in_dim3A_22 = vector.broadcast %jit3A : i32 to vector<32x2048xi32>
    %select_n3A_23 = arith.select %eq3A_21, %iota3A, %broadcast_in_dim3A_22 : vector<32x2048xi1>, vector<32x2048xi32>
    %reduce_min3A = arith.constant dense<2147483647> : vector<2048xi32>
    %reduce_min3A_24 = vector.multi_reduction <minsi>, %select_n3A_23, %reduce_min3A [0] : vector<32x2048xi32> to vector<2048xi32>
    %broadcast_in_dim3A_25 = vector.shape_cast %reduce_min3A_24 : vector<2048xi32> to vector<1x2048xi32>
    %swap3A = arith.constant 0 : index
    %swap3A_26 = arith.constant 0 : index
    %swap3A_27 = arith.constant 0 : index
    %swap3A_28 = vector.load %arg4[%swap3A, %swap3A_26, %swap3A_27] : memref<1x3x2048xf32, #tpu.memory_space<vmem>>, vector<1x1x2048xf32>
    %swap3A_29 = vector.shape_cast %swap3A_28 : vector<1x1x2048xf32> to vector<1x2048xf32>
    %swap3A_30 = vector.shape_cast %broadcast_in_dim3A : vector<1x2048xf32> to vector<1x1x2048xf32>
    tpu.vector_store %arg4[%swap3A, %swap3A_26, %swap3A_27], %swap3A_30 {strides = array<i32>} : memref<1x3x2048xf32, #tpu.memory_space<vmem>>, vector<1x1x2048xf32>,
    %swap3A_31 = arith.constant 0 : index
    %swap3A_32 = arith.constant 0 : index
    %swap3A_33 = arith.constant 0 : index
    %swap3A_34 = vector.load %arg5[%swap3A_31, %swap3A_32, %swap3A_33] : memref<1x3x2048xi32, #tpu.memory_space<vmem>>, vector<1x1x2048xi32>
    %swap3A_35 = vector.shape_cast %swap3A_34 : vector<1x1x2048xi32> to vector<1x2048xi32>
    %swap3A_36 = vector.shape_cast %broadcast_in_dim3A_25 : vector<1x2048xi32> to vector<1x1x2048xi32>
    tpu.vector_store %arg5[%swap3A_31, %swap3A_32, %swap3A_33], %swap3A_36 {strides = array<i32>} : memref<1x3x2048xi32, #tpu.memory_space<vmem>>, vector<1x1x2048xi32>,
    %get3A_37 = arith.constant 0 : index
    %get3A_38 = arith.constant 1 : index
    %get3A_39 = arith.constant 0 : index
    %get3A_40 = arith.constant 0 : index
    %get3A_41 = vector.load %arg3[%get3A_37, %get3A_38, %get3A_39, %get3A_40] : memref<1x3x32x2048xf32, #tpu.memory_space<vmem>>, vector<1x1x32x2048xf32>
    %get3A_42 = vector.shape_cast %get3A_41 : vector<1x1x32x2048xf32> to vector<32x2048xf32>
    %mul3A_43 = vector.broadcast %select_n3A_11 : vector<1x2048xf32> to vector<32x2048xf32>
    %mul3A_44 = arith.mulf %mul3A_43, %get3A_42 : vector<32x2048xf32>
    %reduce_max3A_45 = arith.constant dense<0xFF800000> : vector<2048xf32>
    %reduce_max3A_46 = vector.multi_reduction <maximumf>, %mul3A_44, %reduce_max3A_45 [0] : vector<32x2048xf32> to vector<2048xf32>
    %broadcast_in_dim3A_47 = vector.shape_cast %reduce_max3A_46 : vector<2048xf32> to vector<1x2048xf32>
    %iota3A_48 = tpu.iota {dimensions = array<i32: 0>} : vector<32x2048xi32>
    %eq3A_49 = vector.broadcast %broadcast_in_dim3A_47 : vector<1x2048xf32> to vector<32x2048xf32>
    %eq3A_50 = arith.cmpf oeq, %mul3A_44, %eq3A_49 : vector<32x2048xf32>
    %jit3A_51 = arith.constant 32 : i32
    %broadcast_in_dim3A_52 = vector.broadcast %jit3A_51 : i32 to vector<32x2048xi32>
    %select_n3A_53 = arith.select %eq3A_50, %iota3A_48, %broadcast_in_dim3A_52 : vector<32x2048xi1>, vector<32x2048xi32>
    %reduce_min3A_54 = arith.constant dense<2147483647> : vector<2048xi32>
    %reduce_min3A_55 = vector.multi_reduction <minsi>, %select_n3A_53, %reduce_min3A_54 [0] : vector<32x2048xi32> to vector<2048xi32>
    %broadcast_in_dim3A_56 = vector.shape_cast %reduce_min3A_55 : vector<2048xi32> to vector<1x2048xi32>
    %swap3A_57 = arith.constant 0 : index
    %swap3A_58 = arith.constant 1 : index
    %swap3A_59 = arith.constant 0 : index
    %swap3A_60 = vector.load %arg4[%swap3A_57, %swap3A_58, %swap3A_59] : memref<1x3x2048xf32, #tpu.memory_space<vmem>>, vector<1x1x2048xf32>
    %swap3A_61 = vector.shape_cast %swap3A_60 : vector<1x1x2048xf32> to vector<1x2048xf32>
    %swap3A_62 = vector.shape_cast %broadcast_in_dim3A_47 : vector<1x2048xf32> to vector<1x1x2048xf32>
    tpu.vector_store %arg4[%swap3A_57, %swap3A_58, %swap3A_59], %swap3A_62 {strides = array<i32>} : memref<1x3x2048xf32, #tpu.memory_space<vmem>>, vector<1x1x2048xf32>,
    %swap3A_63 = arith.constant 0 : index
    %swap3A_64 = arith.constant 1 : index
    %swap3A_65 = arith.constant 0 : index
    %swap3A_66 = vector.load %arg5[%swap3A_63, %swap3A_64, %swap3A_65] : memref<1x3x2048xi32, #tpu.memory_space<vmem>>, vector<1x1x2048xi32>
    %swap3A_67 = vector.shape_cast %swap3A_66 : vector<1x1x2048xi32> to vector<1x2048xi32>
    %swap3A_68 = vector.shape_cast %broadcast_in_dim3A_56 : vector<1x2048xi32> to vector<1x1x2048xi32>
    tpu.vector_store %arg5[%swap3A_63, %swap3A_64, %swap3A_65], %swap3A_68 {strides = array<i32>} : memref<1x3x2048xi32, #tpu.memory_space<vmem>>, vector<1x1x2048xi32>,
    %get3A_69 = arith.constant 0 : index
    %get3A_70 = arith.constant 2 : index
    %get3A_71 = arith.constant 0 : index
    %get3A_72 = arith.constant 0 : index
    %get3A_73 = vector.load %arg3[%get3A_69, %get3A_70, %get3A_71, %get3A_72] : memref<1x3x32x2048xf32, #tpu.memory_space<vmem>>, vector<1x1x32x2048xf32>
    %get3A_74 = vector.shape_cast %get3A_73 : vector<1x1x32x2048xf32> to vector<32x2048xf32>
    %mul3A_75 = vector.broadcast %select_n3A_11 : vector<1x2048xf32> to vector<32x2048xf32>
    %mul3A_76 = arith.mulf %mul3A_75, %get3A_74 : vector<32x2048xf32>
    %reduce_max3A_77 = arith.constant dense<0xFF800000> : vector<2048xf32>
    %reduce_max3A_78 = vector.multi_reduction <maximumf>, %mul3A_76, %reduce_max3A_77 [0] : vector<32x2048xf32> to vector<2048xf32>
    %broadcast_in_dim3A_79 = vector.shape_cast %reduce_max3A_78 : vector<2048xf32> to vector<1x2048xf32>
    %iota3A_80 = tpu.iota {dimensions = array<i32: 0>} : vector<32x2048xi32>
    %eq3A_81 = vector.broadcast %broadcast_in_dim3A_79 : vector<1x2048xf32> to vector<32x2048xf32>
    %eq3A_82 = arith.cmpf oeq, %mul3A_76, %eq3A_81 : vector<32x2048xf32>
    %jit3A_83 = arith.constant 32 : i32
    %broadcast_in_dim3A_84 = vector.broadcast %jit3A_83 : i32 to vector<32x2048xi32>
    %select_n3A_85 = arith.select %eq3A_82, %iota3A_80, %broadcast_in_dim3A_84 : vector<32x2048xi1>, vector<32x2048xi32>
    %reduce_min3A_86 = arith.constant dense<2147483647> : vector<2048xi32>
    %reduce_min3A_87 = vector.multi_reduction <minsi>, %select_n3A_85, %reduce_min3A_86 [0] : vector<32x2048xi32> to vector<2048xi32>
    %broadcast_in_dim3A_88 = vector.shape_cast %reduce_min3A_87 : vector<2048xi32> to vector<1x2048xi32>
    %swap3A_89 = arith.constant 0 : index
    %swap3A_90 = arith.constant 2 : index
    %swap3A_91 = arith.constant 0 : index
    %swap3A_92 = vector.load %arg4[%swap3A_89, %swap3A_90, %swap3A_91] : memref<1x3x2048xf32, #tpu.memory_space<vmem>>, vector<1x1x2048xf32>
    %swap3A_93 = vector.shape_cast %swap3A_92 : vector<1x1x2048xf32> to vector<1x2048xf32>
    %swap3A_94 = vector.shape_cast %broadcast_in_dim3A_79 : vector<1x2048xf32> to vector<1x1x2048xf32>
    tpu.vector_store %arg4[%swap3A_89, %swap3A_90, %swap3A_91], %swap3A_94 {strides = array<i32>} : memref<1x3x2048xf32, #tpu.memory_space<vmem>>, vector<1x1x2048xf32>,
    %swap3A_95 = arith.constant 0 : index
    %swap3A_96 = arith.constant 2 : index
    %swap3A_97 = arith.constant 0 : index
    %swap3A_98 = vector.load %arg5[%swap3A_95, %swap3A_96, %swap3A_97] : memref<1x3x2048xi32, #tpu.memory_space<vmem>>, vector<1x1x2048xi32>
    %swap3A_99 = vector.shape_cast %swap3A_98 : vector<1x1x2048xi32> to vector<1x2048xi32>
    %swap3A_100 = vector.shape_cast %broadcast_in_dim3A_88 : vector<1x2048xi32> to vector<1x1x2048xi32>
    tpu.vector_store %arg5[%swap3A_95, %swap3A_96, %swap3A_97], %swap3A_100 {strides = array<i32>} : memref<1x3x2048xi32, #tpu.memory_space<vmem>>, vector<1x1x2048xi32>,
    return
  }
  func.func @transform_0(%arg0: i32, %arg1: i32) -> (i32, i32) {
    %add3A = arith.constant 10 : i32
    %add3A_0 = arith.addi %arg1, %add3A : i32
    %c0_i32 = arith.constant 0 : i32
    %c0_i32_1 = arith.constant 0 : i32
    return %c0_i32, %add3A_0 : i32, i32
  }
  func.func @transform_1(%arg0: i32, %arg1: i32) -> (i32, i32, i32, i32) {
    %add3A = arith.constant 10 : i32
    %add3A_0 = arith.addi %arg1, %add3A : i32
    %c0_i32 = arith.constant 0 : i32
    %c0_i32_1 = arith.constant 0 : i32
    %c0_i32_2 = arith.constant 0 : i32
    return %arg0, %c0_i32, %c0_i32_1, %add3A_0 : i32, i32, i32, i32
  }
  func.func @transform_2(%arg0: i32, %arg1: i32) -> (i32, i32, i32) {
    %add3A = arith.constant 10 : i32
    %add3A_0 = arith.addi %arg1, %add3A : i32
    %c0_i32 = arith.constant 0 : i32
    %c0_i32_1 = arith.constant 0 : i32
    return %arg0, %c0_i32, %add3A_0 : i32, i32, i32
  }
  func.func @transform_3(%arg0: i32, %arg1: i32) -> (i32, i32, i32) {
    %add3A = arith.constant 10 : i32
    %add3A_0 = arith.addi %arg1, %add3A : i32
    %c0_i32 = arith.constant 0 : i32
    %c0_i32_1 = arith.constant 0 : i32
    return %arg0, %c0_i32, %add3A_0 : i32, i32, i32
  }
}

</mosaic_0001>

<sc_bundles>
// kernel: kernel.4.cloned.1.call-start
scs
__scs_entry_jumppad:
0x0: {  	(pc) =	sbr.rel $0x88, $3  }
0x1: {  	(tag) =	ssettag $0x0;
	lr =	simm.s32 $0x1  }
0x2: {  	[smem:$0x3F9F] =	sst lr;
	_ =	strace $0xD0000000  }
0x3: {  	_ = 	snop  }
0x4: {  	_ = 	snop  }
0x5: {  	_ = 	snop  }
0x6: {  	_ = 	snop  }
0x7: {  	_ = 	snop  }
__scs_overlays_trampoline_lowered:
0x8: {  	[smem:$0x3FAE] =	sst s0  }
0x9: {  	[smem:$0x3FAF] =	sst s1  }
0xa: {  	[smem:$0x3FB0] =	sst s2  }
0xb: {  	[smem:$0x3FB1] =	sst s3  }
0xc: {  	[smem:$0x3FB2] =	sst s4  }
0xd: {  	[smem:$0x3FB3] =	sst s5  }
0xe: {  	[smem:$0x3FB4] =	sst s6  }
0xf: {  	[smem:$0x3FB5] =	sst s7  }
0x10: {  	[smem:$0x3FB6] =	sst s8  }
0x11: {  	[smem:$0x3FB7] =	sst s9;
	s0 =	simm.s32 @!p0 $0x0  }
0x12: {  	s1 =	sld [smem:$0x3F9D];
	s0 =	simm.s32 @p0 $0x1  }
0x13: {  	[smem:$0x3FB8] =	sst s0;
	s0 =	simm.s32 @!p1 $0x0  }
0x14: {  	s2 =	sld [smem:$0x3F9C];
	s0 =	simm.s32 @p1 $0x1  }
0x15: {  	[smem:$0x3FB9] =	sst s0;
	s0 =	simm.s32 @!p2 $0x0  }
0x16: {  	s3 =	sld [smem:$0x3FDB];
	s0 =	simm.s32 @p2 $0x1  }
0x17: {  	s4 =	simm.s32 $0x1BF5;
	[smem:$0x3FBB] =	sst s0  }
0x18: {  	s0 =	sld [smem:$0x3F9E];
	_ =	swait.ge [sflag:s4], $0x0  }
0x19: {  	s7 =	sld [smem:$0x3F9F]  }
0x1a: {  	s8 =	sadd.s32 $0xFFFFE003, lr  }
0x1b: {  	s9 =	sadd.s32 $0xFFFFFEF7, lr;
	s5 =	simm.s32 $0xFFFFFFFF;
	p2 =	slt.u32 s8, $0xFFFFF086  }
0x1c: {  	p1 =	slt.u32 s9, $0xF7A;
	s5 =	simm.s32 @!p2 $0x0  }
0x1d: {  	s5 =	simm.s32 @p1 $0x1;
	p0 =	seq.s32 s7, s2  }
0x1e: {  	s7 =	smul.u32 @!p0 $0xF7A, s2;
	p2 =	seq.s32 @!p0 s5, $0x0  }
0x1f: {  	s9 =	smul.u32 $0xF7A, s1;
	s8 =	simm.s32 @!p0 $0x1BF5;
	p2 =	por !p2, p0  }
0x20: {  	[sflag:s8] =	ssyncset.s32 @!p0 $0xFFFFF086;
	s6 =	sadd.s32 @!p0 s3, s7;
	s7 =	simm.s32 @!p0 $0x108  }
0x21: {  	s3 =	sadd.s32 s3, s9;
	s6 =	sadd.s32 @!p0 $0x88, s6;
	s7 =	simm.s32 @p2 $0x1082  }
0x22: {  	[simem:s7], [sflag:s8] =	dma.local @!p0 [hbm:s6], $0xF7A  }
0x23: {  	s9 =	sor.u32 $0xD0000000, s2;
	s6 =	simm.s32 $0x108;
	_ =	swait.ge @!p0 [sflag:s8], $0x0  }
0x24: {  	s3 =	sadd.s32 $0x88, s3;
	s6 =	simm.s32 @!p1 $0x1082;
	[sflag:s4] =	ssyncset.s32 $0xFFFFF086  }
0x25: {  	[simem:s6], [sflag:s4] =	dma.local [hbm:s3], $0xF7A  }
0x26: {  	[smem:$0x3F9F] =	sst s1;
	(tag) =	ssettag s2;
	_ =	strace s9  }
0x27: {  	s1 =	sld [smem:$0x3FAF]  }
0x28: {  	s2 =	sld [smem:$0x3FB0]  }
0x29: {  	s4 =	sld [smem:$0x3FB2]  }
0x2a: {  	p0 =	seq.s32 s5, $0x0;
	s5 =	sld [smem:$0x3FB3]  }
0x2b: {  	s6 =	sld [smem:$0x3FB4]  }
0x2c: {  	s7 =	sld [smem:$0x3FB5]  }
0x2d: {  	s3 =	simm.s32 $0x108;
	s8 =	sld [smem:$0x3FB6]  }
0x2e: {  	s3 =	simm.s32 @!p0 $0x1082;
	s9 =	sld [smem:$0x3FB7]  }
0x2f: {  	lr =	sadd.s32 s0, s3;
	s0 =	sld [smem:$0x3FAE]  }
0x30: {  	s3 =	sld [smem:$0x3FB1]  }
0x31: {  	[smem:$0x3FBA] =	sst s10  }
0x32: {  	s10 =	sld [smem:$0x3FB8];
	_ =	sdelay $0x3  }
0x33: {  	p0 =	seq.s32 s10, $0x1;
	s10 =	sld [smem:$0x3FBA];
	_ =	sdelay $0x3  }
0x34: {  	[smem:$0x3FBA] =	sst s10  }
0x35: {  	s10 =	sld [smem:$0x3FB9];
	_ =	sdelay $0x3  }
0x36: {  	p1 =	seq.s32 s10, $0x1;
	s10 =	sld [smem:$0x3FBA];
	_ =	sdelay $0x3  }
0x37: {  	[smem:$0x3FBA] =	sst s10  }
0x38: {  	s10 =	sld [smem:$0x3FBB]  }
0x39: {  	_ = 	snop;
	(pc) =	sbr.ind lr, $3  }
0x3a: {  	_ = 	snop  }
0x3b: {  	_ = 	snop  }
0x3c: {  	p2 =	seq.s32 s10, $0x1;
	s10 =	sld [smem:$0x3FBA]  }
0x3d: {  	_ =	shalt  }
0x3e: {  	_ =	shalt  }
0x3f: {  	_ =	shalt  }
0x40: {  	_ =	shalt  }
0x41: {  	_ =	shalt  }
0x42: {  	_ =	shalt  }
0x43: {  	_ =	shalt  }
0x44: {  	_ =	shalt  }
0x45: {  	_ =	shalt  }
0x46: {  	_ =	shalt  }
0x47: {  	_ =	shalt  }
0x48: {  	_ =	shalt  }
0x49: {  	_ =	shalt  }
0x4a: {  	_ =	shalt  }
0x4b: {  	_ =	shalt  }
0x4c: {  	_ =	shalt  }
0x4d: {  	_ =	shalt  }
0x4e: {  	_ =	shalt  }
0x4f: {  	_ =	shalt  }
0x50: {  	_ =	shalt  }
0x51: {  	_ =	shalt  }
0x52: {  	_ =	shalt  }
0x53: {  	_ =	shalt  }
0x54: {  	_ =	shalt  }
0x55: {  	_ =	shalt  }
0x56: {  	_ =	shalt  }
0x57: {  	_ =	shalt  }
0x58: {  	_ =	shalt  }
0x59: {  	_ =	shalt  }
0x5a: {  	_ =	shalt  }
0x5b: {  	_ =	shalt  }
0x5c: {  	_ =	shalt  }
0x5d: {  	_ =	shalt  }
0x5e: {  	_ =	shalt  }
0x5f: {  	_ =	shalt  }
0x60: {  	_ =	shalt  }
0x61: {  	_ =	shalt  }
0x62: {  	_ =	shalt  }
0x63: {  	_ =	shalt  }
0x64: {  	_ =	shalt  }
0x65: {  	_ =	shalt  }
0x66: {  	_ =	shalt  }
0x67: {  	_ =	shalt  }
0x68: {  	_ =	shalt  }
0x69: {  	_ =	shalt  }
0x6a: {  	_ =	shalt  }
0x6b: {  	_ =	shalt  }
0x6c: {  	_ =	shalt  }
0x6d: {  	_ =	shalt  }
0x6e: {  	_ =	shalt  }
0x6f: {  	_ =	shalt  }
0x70: {  	_ =	shalt  }
0x71: {  	_ =	shalt  }
0x72: {  	_ =	shalt  }
0x73: {  	_ =	shalt  }
0x74: {  	_ =	shalt  }
0x75: {  	_ =	shalt  }
0x76: {  	_ =	shalt  }
0x77: {  	_ =	shalt  }
0x78: {  	_ =	shalt  }
0x79: {  	_ =	shalt  }
0x7a: {  	_ =	shalt  }
0x7b: {  	_ =	shalt  }
0x7c: {  	_ =	shalt  }
0x7d: {  	_ =	shalt  }
0x7e: {  	_ =	shalt  }
0x7f: {  	_ =	shalt  }
0x80: {  	_ =	shalt  }
0x81: {  	_ =	shalt  }
0x82: {  	_ =	shalt  }
0x83: {  	_ =	shalt  }
0x84: {  	_ =	shalt  }
0x85: {  	_ =	shalt  }
0x86: {  	_ =	shalt  }
0x87: {  	_ =	shalt  }
.Lfunc_end0:
.L_simem_size_0:
called_computation_lowered:
.L_overlay_start_0:
0x88: {  	s2 =	sld [smem:$0x3FD9]  }
0x89: {  	s3 =	sld [smem:$0x3FFE];
	_ =	sdelay $0x1  }
0x8a: {  	s1 =	srdreg.scid  }
0x8b: {  	s0 =	sand.u32 $0x1, s1  }
0x8c: {  	s14 =	sshll.u32 s0, $0xA;
	s2 =	sadd.s32 s3, s2  }
0x8d: {  	s2 =	sadd.s32 s2, s14  }
0x8e: {  	[smem:$0x3FC6] =	sst s2  }
0x8f: {  	_ = 	snop  }
0x90: {  	s2 =	sld [smem:$0x3FD0];
	_ =	sdelay $0x1  }
0x91: {  	s15 =	sld [smem:$0x3FC9]  }
0x92: {  	s5 =	simm.s32 $0xA;
	s6 =	simm.s32 $0x10;
	s4 =	sld [smem:$0x3FC8]  }
0x93: {  	[smem:s6], [sflag:s5] =	dma.local [hbm:s2], $0x1  }
0x94: {  	_ =	swait.eq [sflag:s5], $0x1  }
0x95: {  	[sflag:s5] =	ssyncset.done $0x0  }
0x96: {  	[sflag:s5] =	ssyncadd.s32 $0xFFFFFFFF  }
0x97: {  	s16 =	sld [smem:$0x11];
	(tm) =	ssettm $0x1  }
0x98: {  	s17 =	sld [smem:$0x3FFB];
	_ =	sdelay $0x3  }
0x99: {  	_ =	strace s17  }
0x9a: {  	s5 =	sld [smem:$0x3FFC];
	_ =	sdelay $0x3  }
0x9b: {  	_ =	strace s5  }
0x9c: {  	s5 =	sld [smem:$0x3FFD];
	_ =	sdelay $0x3  }
0x9d: {  	_ =	strace s5  }
0x9e: {  	_ =	strace $0x8FFFFFFF  }
0x9f: {  	s18 =	sld [smem:$0x3FDB];
	_ =	sdelay $0x1  }
0xa0: {  	s19 =	simm.s32 $_scs_section_size  }
0xa1: {  	s7 =	simm.s32 $_size__tile_overlayer_lowered;
	s8 =	simm.s32 $_tile_overlayer_lowered  }
0xa2: {  	s22 =	simm.s32 $0x1BFF;
	s21 =	sshll.u32 s8, $0x1;
	s5 =	sadd.s32 s19, s18  }
0xa3: {  	s9 =	simm.s32 $0x0;
	s20 =	sshll.u32 s7, $0x1;
	s7 =	sadd.s32 s21, s5  }
0xa4: {  	[timem:s9], [sflag:s22] =	dma.local [hbm:s7], s20  }
0xa5: {  	_ =	swait.ge [sflag:s22], s20  }
0xa6: {  	s6 =	ssub.s32 $0x0, s20;
	[sflag:s22] =	ssyncset.done $0x0  }
0xa7: {  	[sflag:s22] =	ssyncadd.s32 s6;
	_ =	sdelay $0x1  }
0xa8: {  	s23 =	simm.s32 $0x1B8B  }
0xa9: {  	_ =	swait.ge [sflag:s23], $0x1  }
0xaa: {  	[sflag:s23] =	ssyncset.done $0x0  }
0xab: {  	s25 =	simm.s32 $0x1B8E;
	s24 =	sld [smem:$0x3FFE];
	[sflag:s23] =	ssyncadd.s32 $0xFFFFFFFF  }
0xac: {  	s26 =	simm.s32 $execute0_lowered;
	[smem:$0x3FD2] =	sst s25  }
0xad: {  	s7 =	sshll.u32 s26, $0x1;
	_ =	strace $0x80000046;
	[dreg:$0x1] =	wrdreg $0xFFFFFFFF  }
0xae: {  	s28 =	simm.s32 $_size_execute0_lowered;
	s5 =	sadd.s32 s5, s7;
	[dreg:$0x0] =	wrdreg $0x0  }
0xaf: {  	s7 =	sshll.u32 s28, $0x1;
	[dreg:$0x2] =	wrdreg s5  }
0xb0: {  	[dreg:$0x3] =	wrdreg s7  }
0xb1: {  	[dreg:$0x4] =	wrdreg $0xC0  }
0xb2: {  	_ =	task [dreg:s9], $0x5FFFF  }
0xb3: {  	[dreg:$0x1] =	wrdreg $0xFFFFFFFF  }
0xb4: {  	[dreg:$0x0] =	wrdreg $0x60  }
0xb5: {  	[dreg:$0x2] =	wrdreg s15  }
0xb6: {  	[dreg:$0x3] =	wrdreg s4  }
0xb7: {  	[dreg:$0x4] =	wrdreg s16  }
0xb8: {  	[dreg:$0x5] =	wrdreg s24  }
0xb9: {  	[dreg:$0x6] =	wrdreg $0x9  }
0xba: {  	_ =	task.clear_ibuf [dreg:s9], $0x7FFFF;
	_ =	strace $0x90000046  }
0xbb: {  	s29 =	simm.s32 $0x9;
	_ =	strace $0x80000048  }
0xbc: {  	_ =	swait.ge [sflag:s29], $0x1  }
0xbd: {  	[sflag:s29] =	ssyncadd.s32 $0xFFFFFFFF  }
0xbe: {  	_ =	strace $0x90000048  }
0xbf: {  	_ =	sfence  }
0xc0: {  	s30 =	sld [smem:$0x0];
	_ =	sdelay $0x2  }
0xc1: {  	s31 =	sshll.u32 s1, $0xD;
	s1 =	sshrl.u32 s1, $0x2  }
0xc2: {  	s3 =	sand.u32 $0x4000, s31;
	s1 =	sadd.s32 s1, s30  }
0xc3: {  	s0 =	sor.u32 s3, s0;
	s1 =	sshll.u32 s1, $0x11  }
0xc4: {  	s0 =	sor.u32 s1, s0  }
0xc5: {  	s0 =	sadd.s32 $0x8F2B, s0  }
0xc6: {  	[sflag:s0] =	ssyncadd.remote.s32 $0x1  }
0xc7: {  	_ =	sfence.sel $0xFFFF  }
0xc8: {  	[dreg:$0x0] =	wrdreg $0xFFFFFFFF;
	(pc) =	sbr.abs _section_cstart, $3  }
0xc9: {  	[dreg:$0x1] =	wrdreg $0xFFFFFFFF  }
0xca: {  	_ =	task.clear_ibuf [dreg:s9], $0x2FFFF;
	_ =	strace $0x9FFFFFFF  }
0xcb: {  	(tm) =	ssettm $0x7FFFFFFF  }
tec
execute0_lowered:
.L_overlay_start_1:
0x0: {  	(tag) =	ssettag $0x1  }
0x1: {  	s0 =	rddreg [dreg:$0x0]  }
0x2: {  	s1 =	rddreg [dreg:$0x1]  }
0x3: {  	s2 =	srdreg.scid;
	s8 =	rddreg [dreg:$0x2]  }
0x4: {  	s3 =	stileid.u32;
	s5 =	rddreg [dreg:$0x3]  }
0x5: {  	s30 =	simm.s32 $0x0;
	s11 =	simm.s32 $0x3;
	s12 =	simm.s32 $0x1400  }
0x6: {  	s13 =	simm.s32 $0x40000;
	s2 =	sand.u32 $0x1, s2;
	s3 =	sshll.u32 s3, $0x1  }
0x7: {  	s14 =	simm.s32 $0xA00;
	s15 =	simm.s32 $0x5A00;
	s4 =	sor.u32 s2, s3  }
0x8: {  	s16 =	simm.s32 $0x1;
	s17 =	simm.s32 $0x2;
	s9 =	smul.u32 $0x140, s4  }
0x9: {  	[smem:$0x7FF] =	sst s30;
	s2 =	ssub.s32 $0x2, s2;
	s4 =	smul.u32 $0x1400, s4  }
0xa: {  	s21 =	simm.s32 $0x0;
	_ =	strace $0x80000047;
	s31 =	sshrl.u32 s2, $0x1  }
0xb: {  	s2 =	ssub.s32 s2, s31;
	s10 =	sadd.s32 s9, s5;
	s6 =	sshrl.u32 s4, $0x3  }
0xc: {  	s5 =	sadd.s32 s0, s9;
	s7 =	sor.u32 $0x200000, s4;
	s8 =	sadd.s32 s8, s9  }
0xd: {  	v0 =	vimm.s32 $0x0;
	s6 =	sadd.s32 s1, s6;
	s9 =	sadd.s32 $0xE00, s10;
	s10 =	smax.u32 s2, $0x1  }
.LBB2_1:
0xe: {  	s0 =	simm.s32 $0x0  }
0xf: {  	[tilespmem:s0], [sflag:$0x3] =	stream.linear.gather [hbm4b:s5+s0], $0xA00, $0x38;
	[tilespmem:$0xFA00] =	vst v63  }
0x10: {  	_ =	swait.ge [sflag:s11], $0xA00  }
0x11: {  	[sflag:s11] =	ssyncset.done $0x0  }
0x12: {  	s22 =	simm.s32 $0x0;
	[sflag:s11] =	ssyncadd.s32 $0xFFFFF600  }
0x13: {  	[tilespmem:s14], [sflag:$0x1] =	stream.strided.gather [hbm4b:s6+s12], $0x5000, s13, s12, $0x38;
	[tilespmem:$0xFA00] =	vst v63  }
.LBB2_2:
0x14: {  	s23 =	sshllo.u32 s22, $0x1  }
0x15: {  	s0 =	sshll.u32 s23, $0x14  }
0x16: {  	s0 =	sor.u32 s4, s0  }
0x17: {  	s0 =	sshrl.u32 s0, $0x3  }
0x18: {  	s0 =	sadd.s32 s1, s0  }
0x19: {  	[tilespmem:s15], [sflag:$0x2] =	stream.strided.gather [hbm4b:s0+s12], $0x5000, s13, s12, $0x38;
	[tilespmem:$0xFA00] =	vst v63  }
0x1a: {  	s29 =	simm.s32 $0x0;
	s2 =	simm.s32 $0x0;
	_ =	swait.ge [sflag:s16], $0x5000  }
0x1b: {  	s24 =	sand.u32 $0x70, s29;
	s0 =	sand.u32 $0x3FFFFC00, s2;
	[sflag:s16] =	ssyncset.done $0x0  }
0x1c: {  	s25 =	sor.u32 s24, s0;
	[sflag:s16] =	ssyncadd.s32 $0xFFFFB000  }
0x1d: {  	s3 =	smul.u32 $0x156, s22;
	v4 =	vld [tilespmem:s25+$0x2000]  }
0x1e: {  	v13 =	vld [tilespmem:s25+$0x1F00]  }
0x1f: {  	s2 =	sshrl.u32 s3, $0x9;
	v3 =	vld [tilespmem:s25+$0x3300]  }
0x20: {  	s2 =	sand.u32 $0x7F, s2;
	v2 =	vld [tilespmem:s25+$0x3500]  }
0x21: {  	s19 =	sshrl.u32 s2, $0x2;
	v6 =	vld [tilespmem:s25+$0x1E00]  }
0x22: {  	s19 =	smul.u32 $0x2800, s19;
	v8 =	vld [tilespmem:s25+$0xD00]  }
0x23: {  	s0 =	sshrl.u32 s3, $0x2;
	v11 =	vld [tilespmem:s25+$0xD80]  }
0x24: {  	s26 =	simm.s32 $0x0;
	s0 =	sand.u32 $0x180, s0;
	v7 =	vld [tilespmem:s25+$0xC00];
	s19 =	sshrl.u32 s19, $0x2  }
0x25: {  	s18 =	sand.u32 $0xFFFFFE00, s26;
	v10 =	vld [tilespmem:s25+$0xA80];
	s30 =	sor.u32 s0, s19  }
0x26: {  	v12 =	vld [tilespmem:s25+$0xB00];
	s19 =	sadd.s32 s18, s30  }
0x27: {  	v14 =	vld [tilespmem:s25+$0xA00];
	s19 =	sadd.s32 s24, s19  }
0x28: {  	v1 =	vld [tilespmem:s19+$0x0]  }
0x29: {  	v5 =	vld [tilespmem:s25+$0x3380]  }
0x2a: {  	v19 =	vld [tilespmem:s25+$0x2100]  }
0x2b: {  	v17 =	vld [tilespmem:s25+$0xC80]  }
0x2c: {  	v15 =	vld [tilespmem:s25+$0xB80]  }
0x2d: {  	v9 =	vld [tilespmem:s25+$0x1E80];
	v16 =	vmul.f32 v10, v1;
	v2 =	vmul.f32 v2, v1  }
0x2e: {  	v18 =	vld [tilespmem:s25+$0x3280];
	v14 =	vmul.f32 v14, v1;
	v20 =	vmul.f32 v12, v1  }
0x2f: {  	s20 =	smul.u32 $0xFFFFFFFD, s2;
	v27 =	vld [tilespmem:s25+$0x4600];
	v23 =	vmul.f32 v7, v1;
	v7 =	vmul.f32 v6, v1  }
0x30: {  	s26 =	sshll.u32 s22, $0x1;
	v21 =	vld [tilespmem:s25+$0x3200];
	v17 =	vmul.f32 v17, v1;
	v13 =	vmul.f32 v13, v1  }
0x31: {  	s19 =	sadd.s32 s26, s20;
	v10 =	vld [tilespmem:s25+$0x3480];
	vm0 =	vgt.f32 v16, v14;
	v6 =	vmax.f32 v14, v16;
	v14 =	vmul.f32 v15, v1  }
0x32: {  	s28 =	sshrl.u32 s19, $0x2;
	v12 =	vld [tilespmem:s25+$0x3580];
	v16 =	vsel vm0, $0x1, v0;
	vm13 =	vgt.f32 v20, v6;
	v6 =	vmax.f32 v6, v20  }
0x33: {  	s2 =	sadd.s32 s2, s28;
	v15 =	vmul.f32 v8, v1;
	v8 =	vsel vm13, $0x2, v16;
	v16 =	vld [tilespmem:s25+$0x4680];
	vm14 =	vgt.f32 v14, v6  }
0x34: {  	s19 =	sshll.u32 s19, $0x7;
	s2 =	smul.u32 $0xA00, s2;
	v20 =	vmax.f32 v6, v14;
	v14 =	vld [tilespmem:s25+$0x2180];
	v6 =	vmul.f32 v18, v1;
	v25 =	vsel vm14, $0x3, v8  }
0x35: {  	s19 =	sand.u32 $0x180, s19;
	v18 =	vld [tilespmem:s25+$0x2080];
	v22 =	vmax.f32 v20, v23;
	vm15 =	vgt.f32 v23, v20;
	v8 =	vmul.f32 v19, v1  }
0x36: {  	s31 =	sor.u32 s19, s2;
	v19 =	vmul.f32 v11, v1;
	v11 =	vmul.f32 v4, v1;
	v23 =	vld [tilespmem:s25+$0x4980];
	v24 =	vmax.f32 v22, v17  }
0x37: {  	s2 =	simm.s32 $0x1;
	s28 =	sadd.s32 s31, s18;
	v4 =	vmul.f32 v27, v1;
	v26 =	vsel vm15, $0x4, v25;
	v25 =	vld [tilespmem:s25+$0x1F80];
	v20 =	vmax.f32 v24, v15  }
.LBB2_3:
0x38: {  	p0 =	sne.s32 s2, $0x27  }
0x39: {  	vm0 =	vgt.f32 v19, v20;
	v9 =	vmul.f32 v9, v1;
	v21 =	vmul.f32 v21, v1;
	v27 =	vld [tilespmem:s25+$0x4900];
	s29 =	sadd.s32 $0x10, s29;
	s0 =	smov.u32 s2;
	s2 =	sadd.s32 $0x1, s2  }
0x3a: {  	vm1 =	vgt.f32 v17, v22;
	vm2 =	vgt.f32 v15, v24;
	v16 =	vmul.f32 v16, v1;
	v15 =	vld [tilespmem:s25+$0x3400]  }
0x3b: {  	v10 =	vmul.f32 v10, v1;
	v17 =	vsel vm1, $0x5, v26;
	v22 =	vld [tilespmem:s25+$0x4700]  }
0x3c: {  	v12 =	vmul.f32 v12, v1;
	v17 =	vsel vm2, $0x6, v17;
	v23 =	vmul.f32 v23, v1  }
0x3d: {  	v18 =	vmul.f32 v18, v1;
	v17 =	vsel vm0, $0x7, v17;
	v24 =	vmul.f32 v25, v1  }
0x3e: {  	v19 =	vmax.f32 v20, v19;
	v14 =	vmul.f32 v14, v1;
	v20 =	vmul.f32 v27, v1  }
0x3f: {  	v5 =	vmul.f32 v5, v1;
	vm0 =	vgt.f32 v7, v19;
	v15 =	vmul.f32 v15, v1  }
0x40: {  	v3 =	vmul.f32 v3, v1;
	v7 =	vmax.f32 v19, v7;
	v19 =	vmul.f32 v22, v1  }
0x41: {  	v17 =	vsel vm0, $0x8, v17;
	vm0 =	vgt.f32 v9, v7;
	v7 =	vmax.f32 v7, v9  }
0x42: {  	v9 =	vsel vm0, $0x9, v17;
	vm0 =	vgt.f32 v13, v7;
	v7 =	vmax.f32 v7, v13  }
0x43: {  	v9 =	vsel vm0, $0xA, v9;
	vm0 =	vgt.f32 v24, v7;
	v7 =	vmax.f32 v7, v24;
	v13 =	vld [tilespmem:s25+$0x4800]  }
0x44: {  	v9 =	vsel vm0, $0xB, v9;
	vm0 =	vgt.f32 v11, v7;
	v7 =	vmax.f32 v7, v11  }
0x45: {  	v9 =	vsel vm0, $0xC, v9;
	vm0 =	vgt.f32 v18, v7;
	v7 =	vmax.f32 v7, v18  }
0x46: {  	v9 =	vsel vm0, $0xD, v9;
	vm0 =	vgt.f32 v8, v7;
	v7 =	vmax.f32 v7, v8  }
0x47: {  	v8 =	vsel vm0, $0xE, v9;
	vm0 =	vgt.f32 v14, v7;
	v7 =	vmax.f32 v7, v14  }
0x48: {  	v8 =	vsel vm0, $0xF, v8;
	vm0 =	vgt.f32 v21, v7;
	v7 =	vmax.f32 v7, v21  }
0x49: {  	s20 =	sshll.u32 s0, $0x7;
	v8 =	vsel vm0, $0x10, v8;
	vm0 =	vgt.f32 v6, v7;
	v6 =	vmax.f32 v7, v6  }
0x4a: {  	s19 =	sand.u32 $0x70, s29;
	s20 =	sand.u32 $0x3FFFFC00, s20;
	v7 =	vsel vm0, $0x11, v8;
	vm0 =	vgt.f32 v3, v6;
	v3 =	vmax.f32 v6, v3  }
0x4b: {  	s0 =	sshll.u32 s0, $0x6;
	s20 =	sor.u32 s19, s20;
	v6 =	vsel vm0, $0x12, v7;
	vm0 =	vgt.f32 v5, v3;
	v3 =	vmax.f32 v3, v5  }
0x4c: {  	s0 =	sand.u32 $0xFFFFFE00, s0;
	v5 =	vsel vm0, $0x13, v6;
	vm0 =	vgt.f32 v15, v3;
	v3 =	vmax.f32 v3, v15  }
0x4d: {  	s3 =	sadd.s32 s0, s30;
	s18 =	sadd.s32 s31, s0;
	v5 =	vsel vm0, $0x14, v5;
	vm0 =	vgt.f32 v10, v3;
	v3 =	vmax.f32 v3, v10;
	v6 =	vld [tilespmem:s25+$0x4780]  }
0x4e: {  	s0 =	sadd.s32 s19, s3;
	v5 =	vsel vm0, $0x15, v5;
	vm0 =	vgt.f32 v2, v3;
	v2 =	vmax.f32 v3, v2;
	v3 =	vld [tilespmem:s25+$0x4880];
	s25 =	smov.u32 s20  }
0x4f: {  	v5 =	vsel vm0, $0x16, v5;
	vm0 =	vgt.f32 v12, v2;
	v2 =	vmax.f32 v2, v12  }
0x50: {  	v5 =	vsel vm0, $0x17, v5;
	vm0 =	vgt.f32 v4, v2;
	v2 =	vmax.f32 v2, v4  }
0x51: {  	v4 =	vsel vm0, $0x18, v5;
	vm0 =	vgt.f32 v16, v2;
	v5 =	vmul.f32 v13, v1  }
0x52: {  	v2 =	vmax.f32 v2, v16;
	v4 =	vsel vm0, $0x19, v4;
	v6 =	vmul.f32 v6, v1  }
0x53: {  	vm0 =	vgt.f32 v19, v2;
	v2 =	vmax.f32 v2, v19;
	v1 =	vmul.f32 v3, v1  }
0x54: {  	v3 =	vsel vm0, $0x1A, v4;
	vm0 =	vgt.f32 v6, v2;
	v2 =	vmax.f32 v2, v6  }
0x55: {  	v3 =	vsel vm0, $0x1B, v3;
	vm0 =	vgt.f32 v5, v2;
	v2 =	vmax.f32 v2, v5  }
0x56: {  	v3 =	vsel vm0, $0x1C, v3;
	vm0 =	vgt.f32 v1, v2;
	v1 =	vmax.f32 v2, v1  }
0x57: {  	v2 =	vsel vm0, $0x1D, v3;
	vm0 =	vgt.f32 v20, v1;
	v1 =	vmax.f32 v1, v20  }
0x58: {  	s3 =	sor.u32 s24, s28;
	s24 =	smov.u32 s19;
	s28 =	smov.u32 s18;
	v2 =	vsel vm0, $0x1E, v2;
	vm0 =	vgt.f32 v23, v1;
	v1 =	vmax.f32 v1, v23  }
0x59: {  	v2 =	vsel vm0, $0x1F, v2;
	[tilespmem:s3+$0xAA00] =	vst v1  }
0x5a: {  	[tilespmem:s3+$0xD200] =	vst v2  }
0x5b: {  	v4 =	vld [tilespmem:s25+$0x2000]  }
0x5c: {  	v13 =	vld [tilespmem:s25+$0x1F00]  }
0x5d: {  	v3 =	vld [tilespmem:s25+$0x3300]  }
0x5e: {  	v2 =	vld [tilespmem:s25+$0x3500]  }
0x5f: {  	v6 =	vld [tilespmem:s25+$0x1E00]  }
0x60: {  	v8 =	vld [tilespmem:s25+$0xD00]  }
0x61: {  	v11 =	vld [tilespmem:s25+$0xD80]  }
0x62: {  	v7 =	vld [tilespmem:s25+$0xC00]  }
0x63: {  	v10 =	vld [tilespmem:s25+$0xA80]  }
0x64: {  	v12 =	vld [tilespmem:s25+$0xB00]  }
0x65: {  	v14 =	vld [tilespmem:s25+$0xA00]  }
0x66: {  	v1 =	vld [tilespmem:s0+$0x0]  }
0x67: {  	v5 =	vld [tilespmem:s25+$0x3380]  }
0x68: {  	v19 =	vld [tilespmem:s25+$0x2100]  }
0x69: {  	v15 =	vld [tilespmem:s25+$0xB80]  }
0x6a: {  	v9 =	vld [tilespmem:s25+$0x1E80]  }
0x6b: {  	v16 =	vmul.f32 v10, v1;
	v17 =	vld [tilespmem:s25+$0xC80];
	v2 =	vmul.f32 v2, v1  }
0x6c: {  	v14 =	vmul.f32 v14, v1;
	v18 =	vmul.f32 v12, v1;
	v20 =	vld [tilespmem:s25+$0x3280]  }
0x6d: {  	v23 =	vmul.f32 v7, v1;
	v7 =	vmul.f32 v6, v1;
	v10 =	vld [tilespmem:s25+$0x3480]  }
0x6e: {  	vm0 =	vgt.f32 v16, v14;
	v6 =	vmax.f32 v14, v16;
	v14 =	vmul.f32 v15, v1;
	v12 =	vld [tilespmem:s25+$0x3580]  }
0x6f: {  	v16 =	vsel vm0, $0x1, v0;
	vm0 =	vgt.f32 v18, v6;
	v15 =	vmul.f32 v8, v1;
	v27 =	vld [tilespmem:s25+$0x4600]  }
0x70: {  	v6 =	vmax.f32 v6, v18;
	v8 =	vsel vm0, $0x2, v16;
	v17 =	vmul.f32 v17, v1;
	v16 =	vld [tilespmem:s25+$0x4680]  }
.Ltmp0:
0x71: {  	vm0 =	vgt.f32 v14, v6;
	v18 =	vmax.f32 v6, v14;
	v21 =	vld [tilespmem:s25+$0x3200];
	(pc) =	sbr.rel @p0 .LBB2_3-.Ltmp0, $4  }
0x72: {  	v25 =	vsel vm0, $0x3, v8;
	v22 =	vmax.f32 v18, v23;
	v6 =	vmul.f32 v20, v1;
	v14 =	vld [tilespmem:s25+$0x2180]  }
0x73: {  	vm0 =	vgt.f32 v23, v18;
	v8 =	vmul.f32 v19, v1;
	v24 =	vmax.f32 v22, v17;
	v18 =	vld [tilespmem:s25+$0x2080]  }
0x74: {  	v19 =	vmul.f32 v11, v1;
	v11 =	vmul.f32 v4, v1;
	v26 =	vsel vm0, $0x4, v25;
	v23 =	vld [tilespmem:s25+$0x4980]  }
0x75: {  	v13 =	vmul.f32 v13, v1;
	v20 =	vmax.f32 v24, v15;
	v4 =	vmul.f32 v27, v1;
	v25 =	vld [tilespmem:s25+$0x1F80]  }
0x76: {  	vm0 =	vgt.f32 v19, v20;
	v9 =	vmul.f32 v9, v1  }
0x77: {  	v21 =	vmul.f32 v21, v1;
	vm1 =	vgt.f32 v17, v22;
	v16 =	vmul.f32 v16, v1  }
0x78: {  	v27 =	vld [tilespmem:s25+$0x4900];
	vm2 =	vgt.f32 v15, v24;
	v10 =	vmul.f32 v10, v1;
	v12 =	vmul.f32 v12, v1  }
0x79: {  	v15 =	vld [tilespmem:s25+$0x3400];
	v19 =	vmax.f32 v20, v19;
	v5 =	vmul.f32 v5, v1;
	v3 =	vmul.f32 v3, v1  }
0x7a: {  	v22 =	vld [tilespmem:s25+$0x4700];
	v17 =	vsel vm1, $0x5, v26;
	v14 =	vmul.f32 v14, v1;
	vm12 =	vgt.f32 v7, v19  }
0x7b: {  	v7 =	vmax.f32 v19, v7;
	v17 =	vsel vm2, $0x6, v17;
	v18 =	vmul.f32 v18, v1  }
0x7c: {  	vm13 =	vgt.f32 v9, v7;
	v7 =	vmax.f32 v7, v9;
	v23 =	vmul.f32 v23, v1  }
0x7d: {  	v17 =	vsel vm0, $0x7, v17;
	vm14 =	vgt.f32 v13, v7;
	v7 =	vmax.f32 v7, v13  }
0x7e: {  	v24 =	vmul.f32 v25, v1;
	v17 =	vsel vm12, $0x8, v17;
	v20 =	vmul.f32 v27, v1  }
0x7f: {  	v15 =	vmul.f32 v15, v1;
	v19 =	vmul.f32 v22, v1;
	v9 =	vsel vm13, $0x9, v17  }
0x80: {  	v9 =	vsel vm14, $0xA, v9;
	vm15 =	vgt.f32 v24, v7;
	v7 =	vmax.f32 v7, v24  }
0x81: {  	v9 =	vsel vm15, $0xB, v9;
	vm4 =	vgt.f32 v11, v7;
	v7 =	vmax.f32 v7, v11  }
0x82: {  	v9 =	vsel vm4, $0xC, v9;
	vm5 =	vgt.f32 v18, v7;
	v7 =	vmax.f32 v7, v18  }
0x83: {  	v9 =	vsel vm5, $0xD, v9;
	vm6 =	vgt.f32 v8, v7;
	v7 =	vmax.f32 v7, v8  }
0x84: {  	v8 =	vsel vm6, $0xE, v9;
	vm7 =	vgt.f32 v14, v7;
	v7 =	vmax.f32 v7, v14  }
0x85: {  	v8 =	vsel vm7, $0xF, v8;
	vm8 =	vgt.f32 v21, v7;
	v7 =	vmax.f32 v7, v21  }
0x86: {  	v8 =	vsel vm8, $0x10, v8;
	vm9 =	vgt.f32 v6, v7;
	v6 =	vmax.f32 v7, v6  }
0x87: {  	v7 =	vsel vm9, $0x11, v8;
	vm10 =	vgt.f32 v3, v6;
	v3 =	vmax.f32 v6, v3  }
0x88: {  	v6 =	vsel vm10, $0x12, v7;
	vm11 =	vgt.f32 v5, v3;
	v3 =	vmax.f32 v3, v5  }
0x89: {  	v5 =	vld [tilespmem:s25+$0x4800];
	v6 =	vsel vm11, $0x13, v6;
	vm12 =	vgt.f32 v15, v3;
	v3 =	vmax.f32 v3, v15  }
0x8a: {  	v7 =	vld [tilespmem:s25+$0x4780];
	v6 =	vsel vm12, $0x14, v6;
	vm13 =	vgt.f32 v10, v3;
	v3 =	vmax.f32 v3, v10  }
0x8b: {  	v6 =	vsel vm13, $0x15, v6;
	vm14 =	vgt.f32 v2, v3;
	v2 =	vmax.f32 v3, v2;
	v3 =	vld [tilespmem:s25+$0x4880]  }
0x8c: {  	v6 =	vsel vm14, $0x16, v6;
	vm15 =	vgt.f32 v12, v2;
	v2 =	vmax.f32 v2, v12  }
0x8d: {  	v6 =	vsel vm15, $0x17, v6;
	vm4 =	vgt.f32 v4, v2;
	v2 =	vmax.f32 v2, v4  }
0x8e: {  	v5 =	vmul.f32 v5, v1;
	v4 =	vsel vm4, $0x18, v6;
	vm5 =	vgt.f32 v16, v2  }
0x8f: {  	v2 =	vmax.f32 v2, v16;
	v6 =	vmul.f32 v7, v1;
	v4 =	vsel vm5, $0x19, v4  }
0x90: {  	vm6 =	vgt.f32 v19, v2;
	v2 =	vmax.f32 v2, v19;
	v1 =	vmul.f32 v3, v1  }
0x91: {  	v3 =	vsel vm6, $0x1A, v4;
	vm7 =	vgt.f32 v6, v2;
	v2 =	vmax.f32 v2, v6  }
0x92: {  	v3 =	vsel vm7, $0x1B, v3;
	vm8 =	vgt.f32 v5, v2;
	v2 =	vmax.f32 v2, v5  }
0x93: {  	s0 =	smin.u32 s26, $0x9;
	v3 =	vsel vm8, $0x1C, v3;
	vm9 =	vgt.f32 v1, v2;
	v1 =	vmax.f32 v2, v1  }
0x94: {  	s0 =	sshll.u32 s0, $0x14;
	v2 =	vsel vm9, $0x1D, v3;
	vm10 =	vgt.f32 v20, v1;
	v1 =	vmax.f32 v1, v20  }
0x95: {  	s2 =	sor.u32 s24, s28;
	s0 =	sadd.s32 s7, s0;
	v2 =	vsel vm10, $0x1E, v2;
	vm11 =	vgt.f32 v23, v1;
	v1 =	vmax.f32 v1, v23  }
0x96: {  	s0 =	sshrl.u32 s0, $0x3;
	v2 =	vsel vm11, $0x1F, v2;
	[tilespmem:s2+$0xAA00] =	vst v1  }
0x97: {  	s0 =	sadd.s32 s1, s0;
	[tilespmem:s2+$0xD200] =	vst v2  }
0x98: {  	[tilespmem:s14], [sflag:$0x1] =	stream.strided.gather [hbm4b:s0+s12], $0x5000, s13, s12, $0x38;
	[tilespmem:$0xFA00] =	vst v63  }
0x99: {  	s26 =	simm.s32 $0x0;
	s18 =	simm.s32 $0x0;
	_ =	swait.ge [sflag:s17], $0x5000  }
0x9a: {  	s24 =	sand.u32 $0x70, s26;
	s0 =	sand.u32 $0x3FFFFC00, s18;
	[sflag:s17] =	ssyncset.done $0x0  }
0x9b: {  	s25 =	sor.u32 s24, s0;
	[sflag:s17] =	ssyncadd.s32 $0xFFFFB000  }
0x9c: {  	v4 =	vld [tilespmem:s25+$0x7000]  }
0x9d: {  	v13 =	vld [tilespmem:s25+$0x6F00]  }
0x9e: {  	s0 =	smulhi.u32 $0x55555556, s23;
	v3 =	vld [tilespmem:s25+$0x8300]  }
0x9f: {  	v2 =	vld [tilespmem:s25+$0x8500]  }
0xa0: {  	s19 =	sshrl.u32 s0, $0x2;
	v6 =	vld [tilespmem:s25+$0x6E00]  }
0xa1: {  	s2 =	smul.u32 $0x2800, s19;
	v8 =	vld [tilespmem:s25+$0x5D00]  }
0xa2: {  	s3 =	sshll.u32 s0, $0x7;
	v11 =	vld [tilespmem:s25+$0x5D80]  }
0xa3: {  	s18 =	simm.s32 $0x0;
	s3 =	sand.u32 $0x180, s3;
	v7 =	vld [tilespmem:s25+$0x5C00];
	s2 =	sshra.s32 s2, $0x2  }
0xa4: {  	s20 =	sand.u32 $0xFFFFFE00, s18;
	v10 =	vld [tilespmem:s25+$0x5A80];
	s28 =	sor.u32 s3, s2  }
0xa5: {  	v12 =	vld [tilespmem:s25+$0x5B00];
	s2 =	sadd.s32 s20, s28  }
0xa6: {  	v14 =	vld [tilespmem:s25+$0x5A00];
	s2 =	sadd.s32 s24, s2  }
0xa7: {  	v1 =	vld [tilespmem:s2+$0x0]  }
0xa8: {  	v5 =	vld [tilespmem:s25+$0x8380]  }
0xa9: {  	v19 =	vld [tilespmem:s25+$0x7100]  }
0xaa: {  	v17 =	vld [tilespmem:s25+$0x5C80]  }
0xab: {  	v15 =	vld [tilespmem:s25+$0x5B80]  }
0xac: {  	v9 =	vld [tilespmem:s25+$0x6E80];
	v16 =	vmul.f32 v10, v1;
	v2 =	vmul.f32 v2, v1  }
0xad: {  	v18 =	vld [tilespmem:s25+$0x8280];
	v14 =	vmul.f32 v14, v1;
	v20 =	vmul.f32 v12, v1  }
0xae: {  	s30 =	smul.u32 $0xFFFFFFFD, s0;
	v27 =	vld [tilespmem:s25+$0x9600];
	v23 =	vmul.f32 v7, v1;
	v7 =	vmul.f32 v6, v1  }
0xaf: {  	v21 =	vld [tilespmem:s25+$0x8200];
	v17 =	vmul.f32 v17, v1;
	v13 =	vmul.f32 v13, v1  }
0xb0: {  	s2 =	sadd.s32 s23, s30;
	v10 =	vld [tilespmem:s25+$0x8480];
	vm12 =	vgt.f32 v16, v14;
	v6 =	vmax.f32 v14, v16;
	v14 =	vmul.f32 v15, v1  }
0xb1: {  	s31 =	sshrl.u32 s2, $0x2;
	v12 =	vld [tilespmem:s25+$0x8580];
	v16 =	vsel vm12, $0x1, v0;
	vm13 =	vgt.f32 v20, v6;
	v6 =	vmax.f32 v6, v20  }
0xb2: {  	s0 =	sadd.s32 s0, s31;
	v15 =	vmul.f32 v8, v1;
	v8 =	vsel vm13, $0x2, v16;
	v16 =	vld [tilespmem:s25+$0x9680];
	vm14 =	vgt.f32 v14, v6  }
0xb3: {  	s2 =	sshll.u32 s2, $0x7;
	s0 =	smul.u32 $0xA00, s0;
	v20 =	vmax.f32 v6, v14;
	v14 =	vld [tilespmem:s25+$0x7180];
	v6 =	vmul.f32 v18, v1;
	v25 =	vsel vm14, $0x3, v8  }
0xb4: {  	s2 =	sand.u32 $0x180, s2;
	v18 =	vld [tilespmem:s25+$0x7080];
	v22 =	vmax.f32 v20, v23;
	vm15 =	vgt.f32 v23, v20;
	v8 =	vmul.f32 v19, v1  }
0xb5: {  	s29 =	sor.u32 s2, s0;
	v19 =	vmul.f32 v11, v1;
	v11 =	vmul.f32 v4, v1;
	v23 =	vld [tilespmem:s25+$0x9980];
	v24 =	vmax.f32 v22, v17  }
0xb6: {  	s2 =	simm.s32 $0x1;
	s23 =	sadd.s32 s29, s20;
	v4 =	vmul.f32 v27, v1;
	v26 =	vsel vm15, $0x4, v25;
	v25 =	vld [tilespmem:s25+$0x6F80];
	v20 =	vmax.f32 v24, v15  }
.LBB2_5:
0xb7: {  	p0 =	sne.s32 s2, $0x27  }
0xb8: {  	vm0 =	vgt.f32 v19, v20;
	v9 =	vmul.f32 v9, v1;
	v21 =	vmul.f32 v21, v1;
	v27 =	vld [tilespmem:s25+$0x9900];
	s26 =	sadd.s32 $0x10, s26;
	s0 =	smov.u32 s2;
	s2 =	sadd.s32 $0x1, s2  }
0xb9: {  	vm1 =	vgt.f32 v17, v22;
	vm2 =	vgt.f32 v15, v24;
	v16 =	vmul.f32 v16, v1;
	v15 =	vld [tilespmem:s25+$0x8400]  }
0xba: {  	v10 =	vmul.f32 v10, v1;
	v17 =	vsel vm1, $0x5, v26;
	v22 =	vld [tilespmem:s25+$0x9700]  }
0xbb: {  	v12 =	vmul.f32 v12, v1;
	v17 =	vsel vm2, $0x6, v17;
	v23 =	vmul.f32 v23, v1  }
0xbc: {  	v18 =	vmul.f32 v18, v1;
	v17 =	vsel vm0, $0x7, v17;
	v24 =	vmul.f32 v25, v1  }
0xbd: {  	v19 =	vmax.f32 v20, v19;
	v14 =	vmul.f32 v14, v1;
	v20 =	vmul.f32 v27, v1  }
0xbe: {  	v5 =	vmul.f32 v5, v1;
	vm0 =	vgt.f32 v7, v19;
	v15 =	vmul.f32 v15, v1  }
0xbf: {  	v3 =	vmul.f32 v3, v1;
	v7 =	vmax.f32 v19, v7;
	v19 =	vmul.f32 v22, v1  }
0xc0: {  	v17 =	vsel vm0, $0x8, v17;
	vm0 =	vgt.f32 v9, v7;
	v7 =	vmax.f32 v7, v9  }
0xc1: {  	v9 =	vsel vm0, $0x9, v17;
	vm0 =	vgt.f32 v13, v7;
	v7 =	vmax.f32 v7, v13  }
0xc2: {  	v9 =	vsel vm0, $0xA, v9;
	vm0 =	vgt.f32 v24, v7;
	v7 =	vmax.f32 v7, v24;
	v13 =	vld [tilespmem:s25+$0x9800]  }
0xc3: {  	v9 =	vsel vm0, $0xB, v9;
	vm0 =	vgt.f32 v11, v7;
	v7 =	vmax.f32 v7, v11  }
0xc4: {  	v9 =	vsel vm0, $0xC, v9;
	vm0 =	vgt.f32 v18, v7;
	v7 =	vmax.f32 v7, v18  }
0xc5: {  	v9 =	vsel vm0, $0xD, v9;
	vm0 =	vgt.f32 v8, v7;
	v7 =	vmax.f32 v7, v8  }
0xc6: {  	v8 =	vsel vm0, $0xE, v9;
	vm0 =	vgt.f32 v14, v7;
	v7 =	vmax.f32 v7, v14  }
0xc7: {  	v8 =	vsel vm0, $0xF, v8;
	vm0 =	vgt.f32 v21, v7;
	v7 =	vmax.f32 v7, v21  }
0xc8: {  	s3 =	sshll.u32 s0, $0x7;
	v8 =	vsel vm0, $0x10, v8;
	vm0 =	vgt.f32 v6, v7;
	v6 =	vmax.f32 v7, v6  }
0xc9: {  	s19 =	sand.u32 $0x70, s26;
	s3 =	sand.u32 $0x3FFFFC00, s3;
	v7 =	vsel vm0, $0x11, v8;
	vm0 =	vgt.f32 v3, v6;
	v3 =	vmax.f32 v6, v3  }
0xca: {  	s0 =	sshll.u32 s0, $0x6;
	s3 =	sor.u32 s19, s3;
	v6 =	vsel vm0, $0x12, v7;
	vm0 =	vgt.f32 v5, v3;
	v3 =	vmax.f32 v3, v5  }
0xcb: {  	s0 =	sand.u32 $0xFFFFFE00, s0;
	v5 =	vsel vm0, $0x13, v6;
	vm0 =	vgt.f32 v15, v3;
	v3 =	vmax.f32 v3, v15  }
0xcc: {  	s18 =	sadd.s32 s0, s28;
	s20 =	sadd.s32 s29, s0;
	v5 =	vsel vm0, $0x14, v5;
	vm0 =	vgt.f32 v10, v3;
	v3 =	vmax.f32 v3, v10;
	v6 =	vld [tilespmem:s25+$0x9780]  }
0xcd: {  	s0 =	sadd.s32 s19, s18;
	v5 =	vsel vm0, $0x15, v5;
	vm0 =	vgt.f32 v2, v3;
	v2 =	vmax.f32 v3, v2;
	v3 =	vld [tilespmem:s25+$0x9880];
	s25 =	smov.u32 s3  }
0xce: {  	v5 =	vsel vm0, $0x16, v5;
	vm0 =	vgt.f32 v12, v2;
	v2 =	vmax.f32 v2, v12  }
0xcf: {  	v5 =	vsel vm0, $0x17, v5;
	vm0 =	vgt.f32 v4, v2;
	v2 =	vmax.f32 v2, v4  }
0xd0: {  	v4 =	vsel vm0, $0x18, v5;
	vm0 =	vgt.f32 v16, v2;
	v5 =	vmul.f32 v13, v1  }
0xd1: {  	v2 =	vmax.f32 v2, v16;
	v4 =	vsel vm0, $0x19, v4;
	v6 =	vmul.f32 v6, v1  }
0xd2: {  	vm0 =	vgt.f32 v19, v2;
	v2 =	vmax.f32 v2, v19;
	v1 =	vmul.f32 v3, v1  }
0xd3: {  	v3 =	vsel vm0, $0x1A, v4;
	vm0 =	vgt.f32 v6, v2;
	v2 =	vmax.f32 v2, v6  }
0xd4: {  	v3 =	vsel vm0, $0x1B, v3;
	vm0 =	vgt.f32 v5, v2;
	v2 =	vmax.f32 v2, v5  }
0xd5: {  	v3 =	vsel vm0, $0x1C, v3;
	vm0 =	vgt.f32 v1, v2;
	v1 =	vmax.f32 v2, v1  }
0xd6: {  	v2 =	vsel vm0, $0x1D, v3;
	vm0 =	vgt.f32 v20, v1;
	v1 =	vmax.f32 v1, v20  }
0xd7: {  	s3 =	sor.u32 s24, s23;
	s24 =	smov.u32 s19;
	s23 =	smov.u32 s20;
	v2 =	vsel vm0, $0x1E, v2;
	vm0 =	vgt.f32 v23, v1;
	v1 =	vmax.f32 v1, v23  }
0xd8: {  	v2 =	vsel vm0, $0x1F, v2;
	[tilespmem:s3+$0xAA00] =	vst v1  }
0xd9: {  	[tilespmem:s3+$0xD200] =	vst v2  }
0xda: {  	v4 =	vld [tilespmem:s25+$0x7000]  }
0xdb: {  	v13 =	vld [tilespmem:s25+$0x6F00]  }
0xdc: {  	v3 =	vld [tilespmem:s25+$0x8300]  }
0xdd: {  	v2 =	vld [tilespmem:s25+$0x8500]  }
0xde: {  	v6 =	vld [tilespmem:s25+$0x6E00]  }
0xdf: {  	v8 =	vld [tilespmem:s25+$0x5D00]  }
0xe0: {  	v11 =	vld [tilespmem:s25+$0x5D80]  }
0xe1: {  	v7 =	vld [tilespmem:s25+$0x5C00]  }
0xe2: {  	v10 =	vld [tilespmem:s25+$0x5A80]  }
0xe3: {  	v12 =	vld [tilespmem:s25+$0x5B00]  }
0xe4: {  	v14 =	vld [tilespmem:s25+$0x5A00]  }
0xe5: {  	v1 =	vld [tilespmem:s0+$0x0]  }
0xe6: {  	v5 =	vld [tilespmem:s25+$0x8380]  }
0xe7: {  	v19 =	vld [tilespmem:s25+$0x7100]  }
0xe8: {  	v15 =	vld [tilespmem:s25+$0x5B80]  }
0xe9: {  	v9 =	vld [tilespmem:s25+$0x6E80]  }
0xea: {  	v16 =	vmul.f32 v10, v1;
	v17 =	vld [tilespmem:s25+$0x5C80];
	v2 =	vmul.f32 v2, v1  }
0xeb: {  	v14 =	vmul.f32 v14, v1;
	v18 =	vmul.f32 v12, v1;
	v20 =	vld [tilespmem:s25+$0x8280]  }
0xec: {  	v23 =	vmul.f32 v7, v1;
	v7 =	vmul.f32 v6, v1;
	v10 =	vld [tilespmem:s25+$0x8480]  }
0xed: {  	vm0 =	vgt.f32 v16, v14;
	v6 =	vmax.f32 v14, v16;
	v14 =	vmul.f32 v15, v1;
	v12 =	vld [tilespmem:s25+$0x8580]  }
0xee: {  	v16 =	vsel vm0, $0x1, v0;
	vm0 =	vgt.f32 v18, v6;
	v15 =	vmul.f32 v8, v1;
	v27 =	vld [tilespmem:s25+$0x9600]  }
0xef: {  	v6 =	vmax.f32 v6, v18;
	v8 =	vsel vm0, $0x2, v16;
	v17 =	vmul.f32 v17, v1;
	v16 =	vld [tilespmem:s25+$0x9680]  }
.Ltmp1:
0xf0: {  	vm0 =	vgt.f32 v14, v6;
	v18 =	vmax.f32 v6, v14;
	v21 =	vld [tilespmem:s25+$0x8200];
	(pc) =	sbr.rel @p0 .LBB2_5-.Ltmp1, $4  }
0xf1: {  	v25 =	vsel vm0, $0x3, v8;
	v22 =	vmax.f32 v18, v23;
	v6 =	vmul.f32 v20, v1;
	v14 =	vld [tilespmem:s25+$0x7180]  }
0xf2: {  	vm0 =	vgt.f32 v23, v18;
	v8 =	vmul.f32 v19, v1;
	v24 =	vmax.f32 v22, v17;
	v18 =	vld [tilespmem:s25+$0x7080]  }
0xf3: {  	v19 =	vmul.f32 v11, v1;
	v11 =	vmul.f32 v4, v1;
	v26 =	vsel vm0, $0x4, v25;
	v23 =	vld [tilespmem:s25+$0x9980]  }
0xf4: {  	v13 =	vmul.f32 v13, v1;
	v20 =	vmax.f32 v24, v15;
	v4 =	vmul.f32 v27, v1;
	v25 =	vld [tilespmem:s25+$0x6F80]  }
0xf5: {  	vm0 =	vgt.f32 v19, v20;
	v9 =	vmul.f32 v9, v1  }
0xf6: {  	v21 =	vmul.f32 v21, v1;
	vm1 =	vgt.f32 v17, v22;
	v16 =	vmul.f32 v16, v1  }
0xf7: {  	v27 =	vld [tilespmem:s25+$0x9900];
	vm2 =	vgt.f32 v15, v24;
	v10 =	vmul.f32 v10, v1;
	v12 =	vmul.f32 v12, v1  }
0xf8: {  	v48 =	vld [tilespmem:s25+$0x8400];
	v51 =	vmax.f32 v20, v19;
	v5 =	vmul.f32 v5, v1;
	v3 =	vmul.f32 v3, v1  }
0xf9: {  	v49 =	vld [tilespmem:s25+$0x9700];
	v17 =	vsel vm1, $0x5, v26;
	v14 =	vmul.f32 v14, v1;
	vm4 =	vgt.f32 v7, v51  }
0xfa: {  	v53 =	vmax.f32 v51, v7;
	v17 =	vsel vm2, $0x6, v17;
	v18 =	vmul.f32 v18, v1  }
0xfb: {  	vm5 =	vgt.f32 v9, v53;
	v7 =	vmax.f32 v53, v9;
	v23 =	vmul.f32 v23, v1  }
0xfc: {  	v17 =	vsel vm0, $0x7, v17;
	vm6 =	vgt.f32 v13, v7;
	v7 =	vmax.f32 v7, v13  }
0xfd: {  	v50 =	vmul.f32 v25, v1;
	v17 =	vsel vm4, $0x8, v17;
	v52 =	vmul.f32 v27, v1  }
0xfe: {  	v15 =	vmul.f32 v48, v1;
	v54 =	vmul.f32 v49, v1;
	v55 =	vsel vm5, $0x9, v17  }
0xff: {  	v9 =	vsel vm6, $0xA, v55;
	vm7 =	vgt.f32 v50, v7;
	v7 =	vmax.f32 v7, v50  }
0x100: {  	v9 =	vsel vm7, $0xB, v9;
	vm8 =	vgt.f32 v11, v7;
	v7 =	vmax.f32 v7, v11  }
0x101: {  	v9 =	vsel vm8, $0xC, v9;
	vm9 =	vgt.f32 v18, v7;
	v7 =	vmax.f32 v7, v18  }
0x102: {  	v9 =	vsel vm9, $0xD, v9;
	vm10 =	vgt.f32 v8, v7;
	v7 =	vmax.f32 v7, v8  }
0x103: {  	v56 =	vsel vm10, $0xE, v9;
	vm11 =	vgt.f32 v14, v7;
	v7 =	vmax.f32 v7, v14  }
0x104: {  	v8 =	vsel vm11, $0xF, v56;
	vm12 =	vgt.f32 v21, v7;
	v7 =	vmax.f32 v7, v21  }
0x105: {  	v8 =	vsel vm12, $0x10, v8;
	vm13 =	vgt.f32 v6, v7;
	v57 =	vmax.f32 v7, v6  }
0x106: {  	v58 =	vsel vm13, $0x11, v8;
	vm14 =	vgt.f32 v3, v57;
	v3 =	vmax.f32 v57, v3  }
0x107: {  	v59 =	vsel vm14, $0x12, v58;
	vm15 =	vgt.f32 v5, v3;
	v3 =	vmax.f32 v3, v5  }
0x108: {  	v61 =	vld [tilespmem:s25+$0x9780];
	v6 =	vsel vm15, $0x13, v59;
	vm4 =	vgt.f32 v15, v3;
	v3 =	vmax.f32 v3, v15  }
0x109: {  	v60 =	vld [tilespmem:s25+$0x9800];
	v6 =	vsel vm4, $0x14, v6;
	vm5 =	vgt.f32 v10, v3;
	v3 =	vmax.f32 v3, v10  }
0x10a: {  	v6 =	vsel vm5, $0x15, v6;
	vm6 =	vgt.f32 v2, v3;
	v2 =	vmax.f32 v3, v2;
	v3 =	vld [tilespmem:s25+$0x9880]  }
0x10b: {  	v6 =	vsel vm6, $0x16, v6;
	vm7 =	vgt.f32 v12, v2;
	v2 =	vmax.f32 v2, v12  }
0x10c: {  	v6 =	vsel vm7, $0x17, v6;
	vm8 =	vgt.f32 v4, v2;
	v2 =	vmax.f32 v2, v4  }
0x10d: {  	v63 =	vmul.f32 v61, v1;
	v62 =	vsel vm8, $0x18, v6;
	vm9 =	vgt.f32 v16, v2  }
0x10e: {  	v5 =	vmul.f32 v60, v1;
	v2 =	vmax.f32 v2, v16;
	v4 =	vsel vm9, $0x19, v62  }
0x10f: {  	vm10 =	vgt.f32 v54, v2;
	v2 =	vmax.f32 v2, v54;
	v1 =	vmul.f32 v3, v1  }
0x110: {  	s22 =	sadd.s32 $0x1, s22;
	v3 =	vsel vm10, $0x1A, v4;
	vm11 =	vgt.f32 v63, v2;
	v2 =	vmax.f32 v2, v63  }
0x111: {  	p0 =	sne.s32 s22, $0x6;
	v3 =	vsel vm11, $0x1B, v3;
	vm12 =	vgt.f32 v5, v2;
	v2 =	vmax.f32 v2, v5  }
.Ltmp2:
0x112: {  	v3 =	vsel vm12, $0x1C, v3;
	vm13 =	vgt.f32 v1, v2;
	v1 =	vmax.f32 v2, v1;
	(pc) =	sbr.rel @p0 .LBB2_2-.Ltmp2, $4  }
0x113: {  	v2 =	vsel vm13, $0x1D, v3;
	vm14 =	vgt.f32 v52, v1;
	v1 =	vmax.f32 v1, v52  }
0x114: {  	s0 =	sor.u32 s24, s23;
	v2 =	vsel vm14, $0x1E, v2;
	vm15 =	vgt.f32 v23, v1;
	v1 =	vmax.f32 v1, v23  }
0x115: {  	v2 =	vsel vm15, $0x1F, v2;
	[tilespmem:s0+$0xAA00] =	vst v1  }
0x116: {  	[tilespmem:s0+$0xD200] =	vst v2  }
0x117: {  	_ =	swait.ge [sflag:s16], $0x5000  }
0x118: {  	[sflag:s16] =	ssyncset.done $0x0  }
0x119: {  	s0 =	simm.s32 $0x14000;
	s2 =	simm.s32 $0xAA00;
	[sflag:s16] =	ssyncadd.s32 $0xFFFFB000  }
0x11a: {  	[hbm4b:s8+s14] =	stream.strided.scatter [tilespmem:s2], [sflag:$0x1], $0x2800, s0, s14, $0x38;
	[tilespmem:$0xFA00] =	vst v63  }
0x11b: {  	s31 =	simm.s32 $0xD200;
	s21 =	sadd.s32 $0x1, s21  }
0x11c: {  	[hbm4b:s9+s14] =	stream.strided.scatter [tilespmem:s31], [sflag:$0x2], $0x2800, s0, s14, $0x38;
	[tilespmem:$0xFA00] =	vst v63  }
0x11d: {  	p0 =	sne.s32 s21, s10;
	_ =	swait.ge [sflag:s16], $0x2800  }
.Ltmp3:
0x11e: {  	[sflag:s16] =	ssyncset.done $0x0;
	(pc) =	sbr.rel @p0 .LBB2_1-.Ltmp3, $4  }
0x11f: {  	[sflag:s16] =	ssyncadd.s32 $0xFFFFD800  }
0x120: {  	_ =	swait.ge [sflag:s17], $0x2800  }
0x121: {  	[sflag:s17] =	ssyncset.done $0x0  }
0x122: {  	[sflag:s17] =	ssyncadd.s32 $0xFFFFD800  }
0x123: {  	_ =	sfence.sel $0x180000  }
0x124: {  	[bflag:$0x0] =	sbarrier.arrive $0xFFFF  }
0x125: {  	_ =	strace $0x90000047  }
0x126: {  	s0 =	stileid.u32;
	[bflag:$0x2] =	sbarrier.arrive $0xFFFF  }
0x127: {  	p0 =	sne.s32 s0, $0x0;
	s0 =	rddreg [dreg:$0x4]  }
0x128: {  	s0 =	sadd.s32 @!p0 $0x100000, s0  }
0x129: {  	[sflag:s0] =	ssyncadd.tile.s32 @!p0 $0x1;
	_ =	shalt  }
.Lfunc_end2:
_tile_overlayer_lowered:
.L_overlay_start_2:
0x12a: {  	(tag) =	ssettag $0x2  }
0x12b: {  	s0 =	rddreg [dreg:$0x0];
	s2 =	stileid.u32  }
0x12c: {  	s1 =	rddreg [dreg:$0x1];
	p0 =	sne.s32 s2, $0x0  }
0x12d: {  	s3 =	rddreg [dreg:$0x2];
	[bflag:$0x3] =	sbarrier.arrive $0xFFFF;
	s2 =	simm.s32 @!p0 $0x1C03  }
0x12e: {  	[timem:s3], [sflag:s2] =	dma.local @!p0 [hbm:s0], s1  }
0x12f: {  	s0 =	simm.s32 @!p0 $0x3  }
0x130: {  	_ =	swait.ge @!p0 [sflag:s0], s1  }
0x131: {  	s1 =	ssub.s32 @!p0 $0x0, s1;
	[sflag:s0] =	ssyncset.done @!p0 $0x0  }
0x132: {  	[sflag:s0] =	ssyncadd.s32 @!p0 s1  }
0x133: {  	[bflag:$0x3] =	sbarrier.arrive $0xFFFF  }
0x134: {  	_ =	shalt  }

</sc_bundles>
